<compile_context>
chip_gen: v7x
topology: tpu7x:2x2x1
jax: 0.10.2.dev20260603
libtpu: 0.0.44.dev20260713+nightly
codegen_flags: <defaults>
</compile_context>

<pallas_src>
import functools

import jax
import jax.numpy as jnp
from jax import lax
from jax.experimental import pallas as pl
from jax.experimental.pallas import tpu as pltpu
from jax.experimental.pallas import tpu_sc as plsc

N = 10000
D = 256
E = 160000

NC, NS = 2, 16
NPAD = 10240
ROWS_PT = NPAD // NS
EPT = E // NS
KC = 80
RC = EPT // KC
NQ = 4
QW = D // NQ

_mesh = plsc.VectorSubcoreMesh(core_axis_name="c", subcore_axis_name="s")


@functools.partial(
    pl.kernel,
    out_type=jax.ShapeDtypeStruct((NC, NPAD, 8), jnp.float32),
    mesh=_mesh,
    compiler_params=pltpu.CompilerParams(use_tc_tiling_on_sc=False),
    scratch_types=[
        pltpu.VMEM((RC, KC), jnp.int32),
        pltpu.VMEM((KC, 8), jnp.float32),
        pltpu.VMEM_SHARED((NPAD, 8), jnp.float32),
    ],
)
def _deg_kernel(e3, ones8, zeros8, out, idx_v, ones_v, sdeg):
    c = lax.axis_index("c")
    s = lax.axis_index("s")
    sl = pl.ds(s * ROWS_PT, ROWS_PT)
    pltpu.sync_copy(zeros8.at[sl], sdeg.at[sl])
    pltpu.sync_copy(ones8, ones_v)
    pltpu.sync_copy(e3.at[c, s], idx_v)
    plsc.subcore_barrier()

    def step(j, carry):
        pltpu.sync_copy(ones_v, sdeg.at[idx_v.at[j]], add=True)
        return carry

    lax.fori_loop(0, RC, step, 0)
    plsc.subcore_barrier()
    pltpu.sync_copy(sdeg.at[sl], out.at[c, sl])


@functools.partial(
    pl.kernel,
    out_type=jax.ShapeDtypeStruct((NQ, NPAD, QW), jnp.float32),
    mesh=_mesh,
    compiler_params=pltpu.CompilerParams(use_tc_tiling_on_sc=False),
    scratch_types=[
        pltpu.VMEM((RC, KC), jnp.int32),
        pltpu.VMEM((RC, KC), jnp.int32),
        pltpu.VMEM((2, KC, QW), jnp.float32),
        pltpu.VMEM_SHARED((NPAD, QW), jnp.float32),
        pltpu.SemaphoreType.DMA((2,)),
        pltpu.SemaphoreType.DMA((2,)),
    ],
)
def _agg_kernel(h4, e3, zerosq, out, sidx, didx, rows, sacc, gsem, ssem):
    c = lax.axis_index("c")
    s = lax.axis_index("s")
    sl = pl.ds(s * ROWS_PT, ROWS_PT)
    pltpu.sync_copy(e3.at[0, s], sidx)
    pltpu.sync_copy(e3.at[1, s], didx)
    pltpu.sync_copy(zerosq.at[sl], sacc.at[sl])

    for p in range(2):
        q = c * 2 + p
        table = h4.at[q]
        plsc.subcore_barrier()
        pltpu.async_copy(table.at[sidx.at[0]], rows.at[0], gsem.at[0])

        def step(j, carry):
            slot = lax.rem(j, 2)
            nxt = lax.rem(j + 1, 2)

            @pl.when(j + 1 < RC)
            def _prefetch():
                @pl.when(j >= 1)
                def _wait_prev_scatter():
                    pltpu.make_async_copy(rows.at[nxt],
                                          sacc.at[didx.at[j - 1]],
                                          ssem.at[nxt]).wait()

                pltpu.async_copy(table.at[sidx.at[j + 1]], rows.at[nxt],
                                 gsem.at[nxt])

            pltpu.make_async_copy(table.at[sidx.at[j]], rows.at[slot],
                                  gsem.at[slot]).wait()
            pltpu.async_copy(rows.at[slot], sacc.at[didx.at[j]],
                             ssem.at[slot], add=True)
            return carry

        lax.fori_loop(0, RC, step, 0)
        pltpu.make_async_copy(rows.at[RC % 2], sacc.at[didx.at[RC - 2]],
                              ssem.at[RC % 2]).wait()
        pltpu.make_async_copy(rows.at[(RC - 1) % 2], sacc.at[didx.at[RC - 1]],
                              ssem.at[(RC - 1) % 2]).wait()
        plsc.subcore_barrier()
        pltpu.sync_copy(sacc.at[sl], out.at[q, sl])
        if p == 0:
            pltpu.sync_copy(zerosq.at[sl], sacc.at[sl])


BN = 2000


def _scale_body(x_ref, deg_ref, o_ref):
    nrm = lax.rsqrt(jnp.maximum(deg_ref[0, :, 0:1], 1.0))
    h = x_ref[...] * nrm
    for q in range(NQ):
        o_ref[q] = h[:, q * QW:(q + 1) * QW]


def _scale(x, degs8):
    return pl.pallas_call(
        _scale_body,
        grid=(N // BN,),
        in_specs=[
            pl.BlockSpec((BN, D), lambda i: (i, 0)),
            pl.BlockSpec((1, BN, 8), lambda i: (0, i, 0)),
        ],
        out_specs=pl.BlockSpec((NQ, BN, QW), lambda i: (0, i, 0)),
        out_shape=jax.ShapeDtypeStruct((NQ, N, QW), jnp.float32),
    )(x, degs8)


def _gru_body(agg_ref, deg_ref, wgc_ref, bgc_ref, wih_ref, bih_ref, bhh_ref,
              o_ref):
    nd = lax.rsqrt(jnp.maximum(deg_ref[0, :, 0:1], 1.0))
    gc = bgc_ref[...]
    for q in range(NQ):
        gc = gc + jnp.dot(agg_ref[q] * nd, wgc_ref[q * QW:(q + 1) * QW, :],
                          preferred_element_type=jnp.float32)
    gc = jnp.maximum(gc, 0.0)
    gi = lax.dot_general(gc, wih_ref[...], (((1,), (1,)), ((), ())),
                         preferred_element_type=jnp.float32) + bih_ref[...]
    bhh = bhh_ref[...]
    r = jax.nn.sigmoid(gi[:, :D] + bhh[:, :D])
    z = jax.nn.sigmoid(gi[:, D:2 * D] + bhh[:, D:2 * D])
    n = jnp.tanh(gi[:, 2 * D:] + r * bhh[:, 2 * D:])
    o_ref[...] = (1.0 - z) * n


def _gru(agg4, degs8, W_gc, b_gc, W_ih, b_ih, b_hh):
    return pl.pallas_call(
        _gru_body,
        grid=(N // BN,),
        in_specs=[
            pl.BlockSpec((NQ, BN, QW), lambda i: (0, i, 0)),
            pl.BlockSpec((1, BN, 8), lambda i: (1, i, 0)),
            pl.BlockSpec((D, D), lambda i: (0, 0)),
            pl.BlockSpec((1, D), lambda i: (0, 0)),
            pl.BlockSpec((3 * D, D), lambda i: (0, 0)),
            pl.BlockSpec((1, 3 * D), lambda i: (0, 0)),
            pl.BlockSpec((1, 3 * D), lambda i: (0, 0)),
        ],
        out_specs=pl.BlockSpec((BN, D), lambda i: (i, 0)),
        out_shape=jax.ShapeDtypeStruct((N, D), jnp.float32),
    )(agg4, degs8, W_gc, b_gc, W_ih, b_ih, b_hh)


def kernel(edge_index, node_embeddings, W_gc, b_gc, W_ih, b_ih, W_hh, b_hh):
    del W_hh
    e3 = edge_index.reshape(2, NS, RC, KC)
    ones8 = jnp.ones((KC, 8), jnp.float32)
    zeros8 = jnp.zeros((NPAD, 8), jnp.float32)
    zerosq = jnp.zeros((NPAD, QW), jnp.float32)
    degs8 = _deg_kernel(e3, ones8, zeros8)
    h4 = _scale(node_embeddings, degs8)
    agg4 = _agg_kernel(h4, e3, zerosq)
    return _gru(agg4, degs8, W_gc, b_gc.reshape(1, D), W_ih,
                b_ih.reshape(1, 3 * D), b_hh.reshape(1, 3 * D))

# --- scband reference (transcript-rebuilt; emitter-appended) ---
"""Pipeline reference for scband-grugcn-30124900614686 (READ-ONLY COPY).

The authoritative reference and input builder live on the scoring server;
editing this copy changes nothing except your own understanding.
"""

import jax, jax.numpy as jnp
import numpy as np

N = 10000
D = 256
E = 160000


def setup_inputs(seed: int = 0) -> dict:
    key = jax.random.key(seed)
    ks = jax.random.split(key, 8)
    edge_index = jax.random.randint(ks[0], (2, E), 0, N, dtype=jnp.int32)
    node_embeddings = jax.random.normal(ks[1], (N, D), dtype=jnp.float32)
    # DGL GraphConv: weight [in, out], bias [out]
    W_gc = jax.random.normal(ks[2], (D, D), dtype=jnp.float32) * 0.05
    b_gc = jnp.zeros((D,), dtype=jnp.float32)
    # torch GRUCell: weight_ih [3*H, D], weight_hh [3*H, H], biases [3*H]
    W_ih = jax.random.normal(ks[3], (3 * D, D), dtype=jnp.float32) * 0.05
    b_ih = jax.random.normal(ks[4], (3 * D,), dtype=jnp.float32) * 0.05
    W_hh = jax.random.normal(ks[5], (3 * D, D), dtype=jnp.float32) * 0.05
    b_hh = jax.random.normal(ks[6], (3 * D,), dtype=jnp.float32) * 0.05
    return {
        "edge_index": edge_index,
        "node_embeddings": node_embeddings,
        "W_gc": W_gc,
        "b_gc": b_gc,
        "W_ih": W_ih,
        "b_ih": b_ih,
        "W_hh": W_hh,
        "b_hh": b_hh,
    }


def reference(edge_index, node_embeddings, W_gc, b_gc, W_ih, b_ih, W_hh, b_hh):
    src = edge_index[0]
    dst = edge_index[1]
    ones = jnp.ones((E,), dtype=jnp.float32)
    # GraphConv with norm='both': D_out^{-1/2} on src side, D_in^{-1/2} on dst side
    out_deg = jax.ops.segment_sum(ones, src, num_segments=N)
    in_deg = jax.ops.segment_sum(ones, dst, num_segments=N)
    norm_src = jnp.power(jnp.clip(out_deg, 1.0, None), -0.5)
    norm_dst = jnp.power(jnp.clip(in_deg, 1.0, None), -0.5)
    h = node_embeddings * norm_src[:, None]
    msg = jnp.take(h, src, axis=0)  # gather over edges
    agg = jax.ops.segment_sum(msg, dst, num_segments=N)  # scatter-add
    agg = agg * norm_dst[:, None]
    gc_out = jax.nn.relu(agg @ W_gc + b_gc)
    # GRUCell with hidden_state initialized to zeros
    h_prev = jnp.zeros_like(gc_out)
    gi = gc_out @ W_ih.T + b_ih
    gh = h_prev @ W_hh.T + b_hh
    i_r, i_z, i_n = jnp.split(gi, 3, axis=1)
    h_r, h_z, h_n = jnp.split(gh, 3, axis=1)
    r = jax.nn.sigmoid(i_r + h_r)
    z = jax.nn.sigmoid(i_z + h_z)
    n = jnp.tanh(i_n + r * h_n)
    h_new = (1.0 - z) * n + z * h_prev
    return h_new

if __name__ == "__main__":
    import jax
    _d = setup_inputs()
    print(jax.jit(kernel)(*tuple(_d.values())))

</pallas_src>

<mosaic_0001>
#map = affine_map<(d0, d1) -> (0, 0, 0, 0)>
#map1 = affine_map<(d0, d1) -> (0, 0)>
#map2 = affine_map<(d0, d1) -> (0, 0, 0)>
module attributes {stable_mosaic.version = 14 : i64} {
  func.func @_deg_kernel(%arg0: i32, %arg1: i32, %arg2: memref<2x16x125x80xi32, #tpu.memory_space<hbm>>, %arg3: memref<80x8xf32, #tpu.memory_space<hbm>>, %arg4: memref<10240x8xf32, #tpu.memory_space<hbm>>, %arg5: memref<2x10240x8xf32, #tpu.memory_space<hbm>>, %arg6: memref<125x80xi32, #tpu.memory_space<vmem>>, %arg7: memref<80x8xf32, #tpu.memory_space<vmem>>, %arg8: memref<10240x8xf32, #tpu.memory_space<vmem_shared>>) attributes {dimension_semantics = [#tpu.dimension_semantics<core_parallel>, #tpu.dimension_semantics<subcore_parallel>], iteration_bounds = array<i64: 2, 16>, scalar_prefetch = 0 : i64, scratch_operands = 3 : i64, tpu.core_type = #tpu.core_type<sc_vector_subcore>, window_params = [{transform_indices = #map}, {transform_indices = #map1}, {transform_indices = #map1}, {transform_indices = #map2}]} {
    %mul3A = arith.constant 640 : i32
    %mul3A_0 = arith.muli %arg1, %mul3A : i32
    "tpu.region"() ({
      %run_scoped3A = tpu.sem_alloc : memref<!tpu.dma_semaphore, #tpu.memory_space<semaphore_mem>>
      %dma_start3A = arith.constant 0 : i32
      %dma_start3A_7 = tpu.memref_slice %arg8[%mul3A_0, %dma_start3A] : memref<10240x8xf32, #tpu.memory_space<vmem_shared>> -> memref<640x8xf32, #tpu.memory_space<vmem_shared>>
      %dma_start3A_8 = arith.constant 0 : i32
      %dma_start3A_9 = tpu.memref_slice %arg4[%mul3A_0, %dma_start3A_8] : memref<10240x8xf32, #tpu.memory_space<hbm>> -> memref<640x8xf32, #tpu.memory_space<hbm>>
      tpu.enqueue_dma source(%dma_start3A_9 : memref<640x8xf32, #tpu.memory_space<hbm>>) target(%dma_start3A_7 : memref<640x8xf32, #tpu.memory_space<vmem_shared>>) target_semaphore(%run_scoped3A : memref<!tpu.dma_semaphore, #tpu.memory_space<semaphore_mem>>)
      %dma_wait3A = arith.constant 0 : i32
      %dma_wait3A_10 = tpu.memref_slice %arg8[%mul3A_0, %dma_wait3A] : memref<10240x8xf32, #tpu.memory_space<vmem_shared>> -> memref<640x8xf32, #tpu.memory_space<vmem_shared>>
      %dma_wait3A_11 = arith.constant 0 : i32
      %dma_wait3A_12 = tpu.memref_slice %arg4[%mul3A_0, %dma_wait3A_11] : memref<10240x8xf32, #tpu.memory_space<hbm>> -> memref<640x8xf32, #tpu.memory_space<hbm>>
      tpu.wait_dma2 semaphore(%run_scoped3A : memref<!tpu.dma_semaphore, #tpu.memory_space<semaphore_mem>>) src(%dma_wait3A_12 : memref<640x8xf32, #tpu.memory_space<hbm>>) dst(%dma_wait3A_10 : memref<640x8xf32, #tpu.memory_space<vmem_shared>>)
      tpu.yield
    }) : () -> ()
    "tpu.region"() ({
      %run_scoped3A = tpu.sem_alloc : memref<!tpu.dma_semaphore, #tpu.memory_space<semaphore_mem>>
      tpu.enqueue_dma source(%arg3 : memref<80x8xf32, #tpu.memory_space<hbm>>) target(%arg7 : memref<80x8xf32, #tpu.memory_space<vmem>>) target_semaphore(%run_scoped3A : memref<!tpu.dma_semaphore, #tpu.memory_space<semaphore_mem>>)
      tpu.wait_dma2 semaphore(%run_scoped3A : memref<!tpu.dma_semaphore, #tpu.memory_space<semaphore_mem>>) src(%arg3 : memref<80x8xf32, #tpu.memory_space<hbm>>) dst(%arg7 : memref<80x8xf32, #tpu.memory_space<vmem>>)
      tpu.yield
    }) : () -> ()
    "tpu.region"() ({
      %run_scoped3A = tpu.sem_alloc : memref<!tpu.dma_semaphore, #tpu.memory_space<semaphore_mem>>
      %dma_start3A = arith.constant 0 : i32
      %dma_start3A_7 = arith.constant 0 : i32
      %dma_start3A_8 = tpu.memref_slice %arg2[%arg0, %arg1, %dma_start3A, %dma_start3A_7] : memref<2x16x125x80xi32, #tpu.memory_space<hbm>> -> memref<1x1x125x80xi32, #tpu.memory_space<hbm>>
      %dma_start3A_9 = tpu.memref_squeeze %dma_start3A_8 : memref<1x1x125x80xi32, #tpu.memory_space<hbm>> -> memref<125x80xi32, #tpu.memory_space<hbm>>
      %dma_start3A_10 = arith.constant 0 : i32
      %dma_start3A_11 = arith.constant 0 : i32
      %dma_start3A_12 = tpu.memref_slice %arg2[%arg0, %arg1, %dma_start3A_10, %dma_start3A_11] : memref<2x16x125x80xi32, #tpu.memory_space<hbm>> -> memref<1x1x125x80xi32, #tpu.memory_space<hbm>>
      %dma_start3A_13 = tpu.memref_squeeze %dma_start3A_12 : memref<1x1x125x80xi32, #tpu.memory_space<hbm>> -> memref<125x80xi32, #tpu.memory_space<hbm>>
      tpu.enqueue_dma source(%dma_start3A_13 : memref<125x80xi32, #tpu.memory_space<hbm>>) target(%arg6 : memref<125x80xi32, #tpu.memory_space<vmem>>) target_semaphore(%run_scoped3A : memref<!tpu.dma_semaphore, #tpu.memory_space<semaphore_mem>>)
      %dma_wait3A = arith.constant 0 : i32
      %dma_wait3A_14 = arith.constant 0 : i32
      %dma_wait3A_15 = tpu.memref_slice %arg2[%arg0, %arg1, %dma_wait3A, %dma_wait3A_14] : memref<2x16x125x80xi32, #tpu.memory_space<hbm>> -> memref<1x1x125x80xi32, #tpu.memory_space<hbm>>
      %dma_wait3A_16 = tpu.memref_squeeze %dma_wait3A_15 : memref<1x1x125x80xi32, #tpu.memory_space<hbm>> -> memref<125x80xi32, #tpu.memory_space<hbm>>
      %dma_wait3A_17 = arith.constant 0 : i32
      %dma_wait3A_18 = arith.constant 0 : i32
      %dma_wait3A_19 = tpu.memref_slice %arg2[%arg0, %arg1, %dma_wait3A_17, %dma_wait3A_18] : memref<2x16x125x80xi32, #tpu.memory_space<hbm>> -> memref<1x1x125x80xi32, #tpu.memory_space<hbm>>
      %dma_wait3A_20 = tpu.memref_squeeze %dma_wait3A_19 : memref<1x1x125x80xi32, #tpu.memory_space<hbm>> -> memref<125x80xi32, #tpu.memory_space<hbm>>
      tpu.wait_dma2 semaphore(%run_scoped3A : memref<!tpu.dma_semaphore, #tpu.memory_space<semaphore_mem>>) src(%dma_wait3A_20 : memref<125x80xi32, #tpu.memory_space<hbm>>) dst(%arg6 : memref<125x80xi32, #tpu.memory_space<vmem>>)
      tpu.yield
    }) : () -> ()
    %barrier3A = arith.constant 0 : index
    tpu.barrier barrier_id(%barrier3A)
    %scan3A = arith.constant 0 : i32
    %scan3A_1 = arith.constant 0 : i32
    %scan3A_2 = arith.constant 125 : i32
    %scan3A_3 = arith.addi %scan3A_1, %scan3A_2 : i32
    %scan3A_4 = arith.constant 1 : i32
    scf.for %scan3A_7 = %scan3A_1 to %scan3A_3 step %scan3A_4  : i32 {
      "tpu.region"() ({
        %run_scoped3A = tpu.sem_alloc : memref<!tpu.dma_semaphore, #tpu.memory_space<semaphore_mem>>
        %dma_start3A = arith.constant 0 : i32
        %dma_start3A_8 = tpu.memref_slice %arg6[%scan3A_7, %dma_start3A] : memref<125x80xi32, #tpu.memory_space<vmem>> -> memref<1x80xi32, #tpu.memory_space<vmem>>
        %dma_start3A_9 = tpu.memref_squeeze %dma_start3A_8 : memref<1x80xi32, #tpu.memory_space<vmem>> -> memref<80xi32, #tpu.memory_space<vmem>>
        %dma_start3A_10 = arith.constant 0 : i32
        %dma_start3A_11 = arith.constant 0 : i32
        %dma_start3A_12 = tpu.memref_slice %arg8[%dma_start3A_10, %dma_start3A_11] : memref<10240x8xf32, #tpu.memory_space<vmem_shared>> -> memref<10240x8xf32, #tpu.memory_space<vmem_shared>>
        tpu.enqueue_indirect_dma source(%arg7 : memref<80x8xf32, #tpu.memory_space<vmem>>) target(%dma_start3A_12 : memref<10240x8xf32, #tpu.memory_space<vmem_shared>>) offsets(%dma_start3A_9 : memref<80xi32, #tpu.memory_space<vmem>>) semaphore(%run_scoped3A : memref<!tpu.dma_semaphore, #tpu.memory_space<semaphore_mem>>) {add = true}
        %dma_wait3A = arith.constant 0 : i32
        %dma_wait3A_13 = tpu.memref_slice %arg6[%scan3A_7, %dma_wait3A] : memref<125x80xi32, #tpu.memory_space<vmem>> -> memref<1x80xi32, #tpu.memory_space<vmem>>
        %dma_wait3A_14 = tpu.memref_squeeze %dma_wait3A_13 : memref<1x80xi32, #tpu.memory_space<vmem>> -> memref<80xi32, #tpu.memory_space<vmem>>
        %dma_wait3A_15 = arith.constant 0 : i32
        %dma_wait3A_16 = arith.constant 0 : i32
        %dma_wait3A_17 = tpu.memref_slice %arg8[%dma_wait3A_15, %dma_wait3A_16] : memref<10240x8xf32, #tpu.memory_space<vmem_shared>> -> memref<10240x8xf32, #tpu.memory_space<vmem_shared>>
        tpu.wait_indirect_dma semaphore(%run_scoped3A : memref<!tpu.dma_semaphore, #tpu.memory_space<semaphore_mem>>) src(%arg7 : memref<80x8xf32, #tpu.memory_space<vmem>>) dst(%dma_wait3A_17 : memref<10240x8xf32, #tpu.memory_space<vmem_shared>>)
        tpu.yield
      }) : () -> ()
    }
    %scan3A_5 = arith.constant 125 : i32
    %barrier3A_6 = arith.constant 0 : index
    tpu.barrier barrier_id(%barrier3A_6)
    "tpu.region"() ({
      %run_scoped3A = tpu.sem_alloc : memref<!tpu.dma_semaphore, #tpu.memory_space<semaphore_mem>>
      %dma_start3A = arith.constant 0 : i32
      %dma_start3A_7 = tpu.memref_slice %arg5[%arg0, %mul3A_0, %dma_start3A] : memref<2x10240x8xf32, #tpu.memory_space<hbm>> -> memref<1x640x8xf32, #tpu.memory_space<hbm>>
      %dma_start3A_8 = tpu.memref_squeeze %dma_start3A_7 : memref<1x640x8xf32, #tpu.memory_space<hbm>> -> memref<640x8xf32, #tpu.memory_space<hbm>>
      %dma_start3A_9 = arith.constant 0 : i32
      %dma_start3A_10 = tpu.memref_slice %arg8[%mul3A_0, %dma_start3A_9] : memref<10240x8xf32, #tpu.memory_space<vmem_shared>> -> memref<640x8xf32, #tpu.memory_space<vmem_shared>>
      tpu.enqueue_dma source(%dma_start3A_10 : memref<640x8xf32, #tpu.memory_space<vmem_shared>>) target(%dma_start3A_8 : memref<640x8xf32, #tpu.memory_space<hbm>>) target_semaphore(%run_scoped3A : memref<!tpu.dma_semaphore, #tpu.memory_space<semaphore_mem>>)
      %dma_wait3A = arith.constant 0 : i32
      %dma_wait3A_11 = tpu.memref_slice %arg5[%arg0, %mul3A_0, %dma_wait3A] : memref<2x10240x8xf32, #tpu.memory_space<hbm>> -> memref<1x640x8xf32, #tpu.memory_space<hbm>>
      %dma_wait3A_12 = tpu.memref_squeeze %dma_wait3A_11 : memref<1x640x8xf32, #tpu.memory_space<hbm>> -> memref<640x8xf32, #tpu.memory_space<hbm>>
      %dma_wait3A_13 = arith.constant 0 : i32
      %dma_wait3A_14 = tpu.memref_slice %arg8[%mul3A_0, %dma_wait3A_13] : memref<10240x8xf32, #tpu.memory_space<vmem_shared>> -> memref<640x8xf32, #tpu.memory_space<vmem_shared>>
      tpu.wait_dma2 semaphore(%run_scoped3A : memref<!tpu.dma_semaphore, #tpu.memory_space<semaphore_mem>>) src(%dma_wait3A_14 : memref<640x8xf32, #tpu.memory_space<vmem_shared>>) dst(%dma_wait3A_12 : memref<640x8xf32, #tpu.memory_space<hbm>>)
      tpu.yield
    }) : () -> ()
    return
  }
}

#map = affine_map<(d0, d1) -> (0, 0, 0)>
#map1 = affine_map<(d0, d1) -> (0, 0, 0, 0)>
#map2 = affine_map<(d0, d1) -> (0, 0)>
module attributes {stable_mosaic.version = 14 : i64} {
  func.func @_agg_kernel(%arg0: i32, %arg1: i32, %arg2: memref<4x10000x64xf32, #tpu.memory_space<hbm>>, %arg3: memref<2x16x125x80xi32, #tpu.memory_space<hbm>>, %arg4: memref<10240x64xf32, #tpu.memory_space<hbm>>, %arg5: memref<4x10240x64xf32, #tpu.memory_space<hbm>>, %arg6: memref<125x80xi32, #tpu.memory_space<vmem>>, %arg7: memref<125x80xi32, #tpu.memory_space<vmem>>, %arg8: memref<2x80x64xf32, #tpu.memory_space<vmem>>, %arg9: memref<10240x64xf32, #tpu.memory_space<vmem_shared>>, %arg10: memref<2x!tpu.dma_semaphore, #tpu.memory_space<semaphore_mem>>, %arg11: memref<2x!tpu.dma_semaphore, #tpu.memory_space<semaphore_mem>>) attributes {dimension_semantics = [#tpu.dimension_semantics<core_parallel>, #tpu.dimension_semantics<subcore_parallel>], iteration_bounds = array<i64: 2, 16>, scalar_prefetch = 0 : i64, scratch_operands = 6 : i64, tpu.core_type = #tpu.core_type<sc_vector_subcore>, window_params = [{transform_indices = #map}, {transform_indices = #map1}, {transform_indices = #map2}, {transform_indices = #map}]} {
    %mul3A = arith.constant 640 : i32
    %mul3A_0 = arith.muli %arg1, %mul3A : i32
    %run_scoped3A = arith.constant 0 : i32
    "tpu.region"() ({
      %run_scoped3A_119 = tpu.sem_alloc : memref<!tpu.dma_semaphore, #tpu.memory_space<semaphore_mem>>
      %dma_start3A_120 = arith.constant 0 : i32
      %dma_start3A_121 = arith.constant 0 : i32
      %dma_start3A_122 = tpu.memref_slice %arg3[%run_scoped3A, %arg1, %dma_start3A_120, %dma_start3A_121] : memref<2x16x125x80xi32, #tpu.memory_space<hbm>> -> memref<1x1x125x80xi32, #tpu.memory_space<hbm>>
      %dma_start3A_123 = tpu.memref_squeeze %dma_start3A_122 : memref<1x1x125x80xi32, #tpu.memory_space<hbm>> -> memref<125x80xi32, #tpu.memory_space<hbm>>
      %dma_start3A_124 = arith.constant 0 : i32
      %dma_start3A_125 = arith.constant 0 : i32
      %dma_start3A_126 = tpu.memref_slice %arg3[%run_scoped3A, %arg1, %dma_start3A_124, %dma_start3A_125] : memref<2x16x125x80xi32, #tpu.memory_space<hbm>> -> memref<1x1x125x80xi32, #tpu.memory_space<hbm>>
      %dma_start3A_127 = tpu.memref_squeeze %dma_start3A_126 : memref<1x1x125x80xi32, #tpu.memory_space<hbm>> -> memref<125x80xi32, #tpu.memory_space<hbm>>
      tpu.enqueue_dma source(%dma_start3A_127 : memref<125x80xi32, #tpu.memory_space<hbm>>) target(%arg6 : memref<125x80xi32, #tpu.memory_space<vmem>>) target_semaphore(%run_scoped3A_119 : memref<!tpu.dma_semaphore, #tpu.memory_space<semaphore_mem>>)
      %dma_wait3A_128 = arith.constant 0 : i32
      %dma_wait3A_129 = arith.constant 0 : i32
      %dma_wait3A_130 = tpu.memref_slice %arg3[%run_scoped3A, %arg1, %dma_wait3A_128, %dma_wait3A_129] : memref<2x16x125x80xi32, #tpu.memory_space<hbm>> -> memref<1x1x125x80xi32, #tpu.memory_space<hbm>>
      %dma_wait3A_131 = tpu.memref_squeeze %dma_wait3A_130 : memref<1x1x125x80xi32, #tpu.memory_space<hbm>> -> memref<125x80xi32, #tpu.memory_space<hbm>>
      %dma_wait3A_132 = arith.constant 0 : i32
      %dma_wait3A_133 = arith.constant 0 : i32
      %dma_wait3A_134 = tpu.memref_slice %arg3[%run_scoped3A, %arg1, %dma_wait3A_132, %dma_wait3A_133] : memref<2x16x125x80xi32, #tpu.memory_space<hbm>> -> memref<1x1x125x80xi32, #tpu.memory_space<hbm>>
      %dma_wait3A_135 = tpu.memref_squeeze %dma_wait3A_134 : memref<1x1x125x80xi32, #tpu.memory_space<hbm>> -> memref<125x80xi32, #tpu.memory_space<hbm>>
      tpu.wait_dma2 semaphore(%run_scoped3A_119 : memref<!tpu.dma_semaphore, #tpu.memory_space<semaphore_mem>>) src(%dma_wait3A_135 : memref<125x80xi32, #tpu.memory_space<hbm>>) dst(%arg6 : memref<125x80xi32, #tpu.memory_space<vmem>>)
      tpu.yield
    }) : () -> ()
    %run_scoped3A_1 = arith.constant 1 : i32
    "tpu.region"() ({
      %run_scoped3A_119 = tpu.sem_alloc : memref<!tpu.dma_semaphore, #tpu.memory_space<semaphore_mem>>
      %dma_start3A_120 = arith.constant 0 : i32
      %dma_start3A_121 = arith.constant 0 : i32
      %dma_start3A_122 = tpu.memref_slice %arg3[%run_scoped3A_1, %arg1, %dma_start3A_120, %dma_start3A_121] : memref<2x16x125x80xi32, #tpu.memory_space<hbm>> -> memref<1x1x125x80xi32, #tpu.memory_space<hbm>>
      %dma_start3A_123 = tpu.memref_squeeze %dma_start3A_122 : memref<1x1x125x80xi32, #tpu.memory_space<hbm>> -> memref<125x80xi32, #tpu.memory_space<hbm>>
      %dma_start3A_124 = arith.constant 0 : i32
      %dma_start3A_125 = arith.constant 0 : i32
      %dma_start3A_126 = tpu.memref_slice %arg3[%run_scoped3A_1, %arg1, %dma_start3A_124, %dma_start3A_125] : memref<2x16x125x80xi32, #tpu.memory_space<hbm>> -> memref<1x1x125x80xi32, #tpu.memory_space<hbm>>
      %dma_start3A_127 = tpu.memref_squeeze %dma_start3A_126 : memref<1x1x125x80xi32, #tpu.memory_space<hbm>> -> memref<125x80xi32, #tpu.memory_space<hbm>>
      tpu.enqueue_dma source(%dma_start3A_127 : memref<125x80xi32, #tpu.memory_space<hbm>>) target(%arg7 : memref<125x80xi32, #tpu.memory_space<vmem>>) target_semaphore(%run_scoped3A_119 : memref<!tpu.dma_semaphore, #tpu.memory_space<semaphore_mem>>)
      %dma_wait3A_128 = arith.constant 0 : i32
      %dma_wait3A_129 = arith.constant 0 : i32
      %dma_wait3A_130 = tpu.memref_slice %arg3[%run_scoped3A_1, %arg1, %dma_wait3A_128, %dma_wait3A_129] : memref<2x16x125x80xi32, #tpu.memory_space<hbm>> -> memref<1x1x125x80xi32, #tpu.memory_space<hbm>>
      %dma_wait3A_131 = tpu.memref_squeeze %dma_wait3A_130 : memref<1x1x125x80xi32, #tpu.memory_space<hbm>> -> memref<125x80xi32, #tpu.memory_space<hbm>>
      %dma_wait3A_132 = arith.constant 0 : i32
      %dma_wait3A_133 = arith.constant 0 : i32
      %dma_wait3A_134 = tpu.memref_slice %arg3[%run_scoped3A_1, %arg1, %dma_wait3A_132, %dma_wait3A_133] : memref<2x16x125x80xi32, #tpu.memory_space<hbm>> -> memref<1x1x125x80xi32, #tpu.memory_space<hbm>>
      %dma_wait3A_135 = tpu.memref_squeeze %dma_wait3A_134 : memref<1x1x125x80xi32, #tpu.memory_space<hbm>> -> memref<125x80xi32, #tpu.memory_space<hbm>>
      tpu.wait_dma2 semaphore(%run_scoped3A_119 : memref<!tpu.dma_semaphore, #tpu.memory_space<semaphore_mem>>) src(%dma_wait3A_135 : memref<125x80xi32, #tpu.memory_space<hbm>>) dst(%arg7 : memref<125x80xi32, #tpu.memory_space<vmem>>)
      tpu.yield
    }) : () -> ()
    "tpu.region"() ({
      %run_scoped3A_119 = tpu.sem_alloc : memref<!tpu.dma_semaphore, #tpu.memory_space<semaphore_mem>>
      %dma_start3A_120 = arith.constant 0 : i32
      %dma_start3A_121 = tpu.memref_slice %arg9[%mul3A_0, %dma_start3A_120] : memref<10240x64xf32, #tpu.memory_space<vmem_shared>> -> memref<640x64xf32, #tpu.memory_space<vmem_shared>>
      %dma_start3A_122 = arith.constant 0 : i32
      %dma_start3A_123 = tpu.memref_slice %arg4[%mul3A_0, %dma_start3A_122] : memref<10240x64xf32, #tpu.memory_space<hbm>> -> memref<640x64xf32, #tpu.memory_space<hbm>>
      tpu.enqueue_dma source(%dma_start3A_123 : memref<640x64xf32, #tpu.memory_space<hbm>>) target(%dma_start3A_121 : memref<640x64xf32, #tpu.memory_space<vmem_shared>>) target_semaphore(%run_scoped3A_119 : memref<!tpu.dma_semaphore, #tpu.memory_space<semaphore_mem>>)
      %dma_wait3A_124 = arith.constant 0 : i32
      %dma_wait3A_125 = tpu.memref_slice %arg9[%mul3A_0, %dma_wait3A_124] : memref<10240x64xf32, #tpu.memory_space<vmem_shared>> -> memref<640x64xf32, #tpu.memory_space<vmem_shared>>
      %dma_wait3A_126 = arith.constant 0 : i32
      %dma_wait3A_127 = tpu.memref_slice %arg4[%mul3A_0, %dma_wait3A_126] : memref<10240x64xf32, #tpu.memory_space<hbm>> -> memref<640x64xf32, #tpu.memory_space<hbm>>
      tpu.wait_dma2 semaphore(%run_scoped3A_119 : memref<!tpu.dma_semaphore, #tpu.memory_space<semaphore_mem>>) src(%dma_wait3A_127 : memref<640x64xf32, #tpu.memory_space<hbm>>) dst(%dma_wait3A_125 : memref<640x64xf32, #tpu.memory_space<vmem_shared>>)
      tpu.yield
    }) : () -> ()
    %mul3A_2 = arith.constant 2 : i32
    %mul3A_3 = arith.muli %arg0, %mul3A_2 : i32
    %add3A = arith.constant 0 : i32
    %add3A_4 = arith.addi %mul3A_3, %add3A : i32
    %barrier3A = arith.constant 0 : index
    tpu.barrier barrier_id(%barrier3A)
    %dma_start3A = arith.constant 0 : i32
    %dma_start3A_5 = arith.constant 0 : i32
    %dma_start3A_6 = arith.constant 0 : i32
    %dma_start3A_7 = arith.constant 0 : i32
    %dma_start3A_8 = arith.constant 0 : i32
    %dma_start3A_9 = tpu.memref_slice %arg8[%dma_start3A_5, %dma_start3A_7, %dma_start3A_8] : memref<2x80x64xf32, #tpu.memory_space<vmem>> -> memref<1x80x64xf32, #tpu.memory_space<vmem>>
    %dma_start3A_10 = tpu.memref_squeeze %dma_start3A_9 : memref<1x80x64xf32, #tpu.memory_space<vmem>> -> memref<80x64xf32, #tpu.memory_space<vmem>>
    %dma_start3A_11 = arith.constant 0 : i32
    %dma_start3A_12 = tpu.memref_slice %arg6[%dma_start3A, %dma_start3A_11] : memref<125x80xi32, #tpu.memory_space<vmem>> -> memref<1x80xi32, #tpu.memory_space<vmem>>
    %dma_start3A_13 = tpu.memref_squeeze %dma_start3A_12 : memref<1x80xi32, #tpu.memory_space<vmem>> -> memref<80xi32, #tpu.memory_space<vmem>>
    %dma_start3A_14 = arith.constant 0 : i32
    %dma_start3A_15 = arith.constant 0 : i32
    %dma_start3A_16 = tpu.memref_slice %arg2[%add3A_4, %dma_start3A_14, %dma_start3A_15] : memref<4x10000x64xf32, #tpu.memory_space<hbm>> -> memref<1x10000x64xf32, #tpu.memory_space<hbm>>
    %dma_start3A_17 = tpu.memref_squeeze %dma_start3A_16 : memref<1x10000x64xf32, #tpu.memory_space<hbm>> -> memref<10000x64xf32, #tpu.memory_space<hbm>>
    %dma_start3A_18 = arith.constant 0 : i32
    %dma_start3A_19 = arith.constant 0 : i32
    %dma_start3A_20 = tpu.memref_slice %dma_start3A_17[%dma_start3A_18, %dma_start3A_19] : memref<10000x64xf32, #tpu.memory_space<hbm>> -> memref<10000x64xf32, #tpu.memory_space<hbm>>
    %dma_start3A_21 = tpu.memref_slice %arg10[%dma_start3A_6] : memref<2x!tpu.dma_semaphore, #tpu.memory_space<semaphore_mem>> -> memref<1x!tpu.dma_semaphore, #tpu.memory_space<semaphore_mem>>
    %dma_start3A_22 = tpu.memref_squeeze %dma_start3A_21 : memref<1x!tpu.dma_semaphore, #tpu.memory_space<semaphore_mem>> -> memref<!tpu.dma_semaphore, #tpu.memory_space<semaphore_mem>>
    tpu.enqueue_indirect_dma source(%dma_start3A_20 : memref<10000x64xf32, #tpu.memory_space<hbm>>) target(%dma_start3A_10 : memref<80x64xf32, #tpu.memory_space<vmem>>) offsets(%dma_start3A_13 : memref<80xi32, #tpu.memory_space<vmem>>) semaphore(%dma_start3A_22 : memref<!tpu.dma_semaphore, #tpu.memory_space<semaphore_mem>>)
    %scan3A = arith.constant 0 : i32
    %scan3A_23 = arith.constant 0 : i32
    %scan3A_24 = arith.constant 125 : i32
    %scan3A_25 = arith.addi %scan3A_23, %scan3A_24 : i32
    %scan3A_26 = arith.constant 1 : i32
    scf.for %scan3A_119 = %scan3A_23 to %scan3A_25 step %scan3A_26  : i32 {
      %rem3A = arith.constant 2 : i32
      %rem3A_120 = arith.remsi %scan3A_119, %rem3A : i32
      %add3A_121 = arith.constant 1 : i32
      %add3A_122 = arith.addi %scan3A_119, %add3A_121 : i32
      %rem3A_123 = arith.constant 2 : i32
      %rem3A_124 = arith.remsi %add3A_122, %rem3A_123 : i32
      %add3A_125 = arith.constant 1 : i32
      %add3A_126 = arith.addi %scan3A_119, %add3A_125 : i32
      %lt3A = arith.constant 125 : i32
      %lt3A_127 = arith.cmpi slt, %add3A_126, %lt3A : i32
      %convert_element_type3A = arith.extui %lt3A_127 : i1 to i32
      %cond3A = arith.constant 0 : i32
      %cond3A_128 = arith.cmpi ne, %convert_element_type3A, %cond3A : i32
      scf.if %cond3A_128 {
        %ge3A = arith.constant 1 : i32
        %ge3A_157 = arith.cmpi sge, %scan3A_119, %ge3A : i32
        %convert_element_type3A_158 = arith.extui %ge3A_157 : i1 to i32
        %cond3A_159 = arith.constant 0 : i32
        %cond3A_160 = arith.cmpi ne, %convert_element_type3A_158, %cond3A_159 : i32
        scf.if %cond3A_160 {
          %sub3A = arith.constant 1 : i32
          %sub3A_179 = arith.subi %scan3A_119, %sub3A : i32
          %dma_wait3A_180 = arith.constant 0 : i32
          %dma_wait3A_181 = arith.constant 0 : i32
          %dma_wait3A_182 = tpu.memref_slice %arg8[%rem3A_124, %dma_wait3A_180, %dma_wait3A_181] : memref<2x80x64xf32, #tpu.memory_space<vmem>> -> memref<1x80x64xf32, #tpu.memory_space<vmem>>
          %dma_wait3A_183 = tpu.memref_squeeze %dma_wait3A_182 : memref<1x80x64xf32, #tpu.memory_space<vmem>> -> memref<80x64xf32, #tpu.memory_space<vmem>>
          %dma_wait3A_184 = arith.constant 0 : i32
          %dma_wait3A_185 = tpu.memref_slice %arg7[%sub3A_179, %dma_wait3A_184] : memref<125x80xi32, #tpu.memory_space<vmem>> -> memref<1x80xi32, #tpu.memory_space<vmem>>
          %dma_wait3A_186 = tpu.memref_squeeze %dma_wait3A_185 : memref<1x80xi32, #tpu.memory_space<vmem>> -> memref<80xi32, #tpu.memory_space<vmem>>
          %dma_wait3A_187 = arith.constant 0 : i32
          %dma_wait3A_188 = arith.constant 0 : i32
          %dma_wait3A_189 = tpu.memref_slice %arg9[%dma_wait3A_187, %dma_wait3A_188] : memref<10240x64xf32, #tpu.memory_space<vmem_shared>> -> memref<10240x64xf32, #tpu.memory_space<vmem_shared>>
          %dma_wait3A_190 = tpu.memref_slice %arg11[%rem3A_124] : memref<2x!tpu.dma_semaphore, #tpu.memory_space<semaphore_mem>> -> memref<1x!tpu.dma_semaphore, #tpu.memory_space<semaphore_mem>>
          %dma_wait3A_191 = tpu.memref_squeeze %dma_wait3A_190 : memref<1x!tpu.dma_semaphore, #tpu.memory_space<semaphore_mem>> -> memref<!tpu.dma_semaphore, #tpu.memory_space<semaphore_mem>>
          tpu.wait_indirect_dma semaphore(%dma_wait3A_191 : memref<!tpu.dma_semaphore, #tpu.memory_space<semaphore_mem>>) src(%dma_wait3A_183 : memref<80x64xf32, #tpu.memory_space<vmem>>) dst(%dma_wait3A_189 : memref<10240x64xf32, #tpu.memory_space<vmem_shared>>)
        } else {
        }
        %add3A_161 = arith.constant 1 : i32
        %add3A_162 = arith.addi %scan3A_119, %add3A_161 : i32
        %dma_start3A_163 = arith.constant 0 : i32
        %dma_start3A_164 = arith.constant 0 : i32
        %dma_start3A_165 = tpu.memref_slice %arg8[%rem3A_124, %dma_start3A_163, %dma_start3A_164] : memref<2x80x64xf32, #tpu.memory_space<vmem>> -> memref<1x80x64xf32, #tpu.memory_space<vmem>>
        %dma_start3A_166 = tpu.memref_squeeze %dma_start3A_165 : memref<1x80x64xf32, #tpu.memory_space<vmem>> -> memref<80x64xf32, #tpu.memory_space<vmem>>
        %dma_start3A_167 = arith.constant 0 : i32
        %dma_start3A_168 = tpu.memref_slice %arg6[%add3A_162, %dma_start3A_167] : memref<125x80xi32, #tpu.memory_space<vmem>> -> memref<1x80xi32, #tpu.memory_space<vmem>>
        %dma_start3A_169 = tpu.memref_squeeze %dma_start3A_168 : memref<1x80xi32, #tpu.memory_space<vmem>> -> memref<80xi32, #tpu.memory_space<vmem>>
        %dma_start3A_170 = arith.constant 0 : i32
        %dma_start3A_171 = arith.constant 0 : i32
        %dma_start3A_172 = tpu.memref_slice %arg2[%add3A_4, %dma_start3A_170, %dma_start3A_171] : memref<4x10000x64xf32, #tpu.memory_space<hbm>> -> memref<1x10000x64xf32, #tpu.memory_space<hbm>>
        %dma_start3A_173 = tpu.memref_squeeze %dma_start3A_172 : memref<1x10000x64xf32, #tpu.memory_space<hbm>> -> memref<10000x64xf32, #tpu.memory_space<hbm>>
        %dma_start3A_174 = arith.constant 0 : i32
        %dma_start3A_175 = arith.constant 0 : i32
        %dma_start3A_176 = tpu.memref_slice %dma_start3A_173[%dma_start3A_174, %dma_start3A_175] : memref<10000x64xf32, #tpu.memory_space<hbm>> -> memref<10000x64xf32, #tpu.memory_space<hbm>>
        %dma_start3A_177 = tpu.memref_slice %arg10[%rem3A_124] : memref<2x!tpu.dma_semaphore, #tpu.memory_space<semaphore_mem>> -> memref<1x!tpu.dma_semaphore, #tpu.memory_space<semaphore_mem>>
        %dma_start3A_178 = tpu.memref_squeeze %dma_start3A_177 : memref<1x!tpu.dma_semaphore, #tpu.memory_space<semaphore_mem>> -> memref<!tpu.dma_semaphore, #tpu.memory_space<semaphore_mem>>
        tpu.enqueue_indirect_dma source(%dma_start3A_176 : memref<10000x64xf32, #tpu.memory_space<hbm>>) target(%dma_start3A_166 : memref<80x64xf32, #tpu.memory_space<vmem>>) offsets(%dma_start3A_169 : memref<80xi32, #tpu.memory_space<vmem>>) semaphore(%dma_start3A_178 : memref<!tpu.dma_semaphore, #tpu.memory_space<semaphore_mem>>)
      } else {
      }
      %dma_wait3A_129 = arith.constant 0 : i32
      %dma_wait3A_130 = arith.constant 0 : i32
      %dma_wait3A_131 = tpu.memref_slice %arg8[%rem3A_120, %dma_wait3A_129, %dma_wait3A_130] : memref<2x80x64xf32, #tpu.memory_space<vmem>> -> memref<1x80x64xf32, #tpu.memory_space<vmem>>
      %dma_wait3A_132 = tpu.memref_squeeze %dma_wait3A_131 : memref<1x80x64xf32, #tpu.memory_space<vmem>> -> memref<80x64xf32, #tpu.memory_space<vmem>>
      %dma_wait3A_133 = arith.constant 0 : i32
      %dma_wait3A_134 = tpu.memref_slice %arg6[%scan3A_119, %dma_wait3A_133] : memref<125x80xi32, #tpu.memory_space<vmem>> -> memref<1x80xi32, #tpu.memory_space<vmem>>
      %dma_wait3A_135 = tpu.memref_squeeze %dma_wait3A_134 : memref<1x80xi32, #tpu.memory_space<vmem>> -> memref<80xi32, #tpu.memory_space<vmem>>
      %dma_wait3A_136 = arith.constant 0 : i32
      %dma_wait3A_137 = arith.constant 0 : i32
      %dma_wait3A_138 = tpu.memref_slice %arg2[%add3A_4, %dma_wait3A_136, %dma_wait3A_137] : memref<4x10000x64xf32, #tpu.memory_space<hbm>> -> memref<1x10000x64xf32, #tpu.memory_space<hbm>>
      %dma_wait3A_139 = tpu.memref_squeeze %dma_wait3A_138 : memref<1x10000x64xf32, #tpu.memory_space<hbm>> -> memref<10000x64xf32, #tpu.memory_space<hbm>>
      %dma_wait3A_140 = arith.constant 0 : i32
      %dma_wait3A_141 = arith.constant 0 : i32
      %dma_wait3A_142 = tpu.memref_slice %dma_wait3A_139[%dma_wait3A_140, %dma_wait3A_141] : memref<10000x64xf32, #tpu.memory_space<hbm>> -> memref<10000x64xf32, #tpu.memory_space<hbm>>
      %dma_wait3A_143 = tpu.memref_slice %arg10[%rem3A_120] : memref<2x!tpu.dma_semaphore, #tpu.memory_space<semaphore_mem>> -> memref<1x!tpu.dma_semaphore, #tpu.memory_space<semaphore_mem>>
      %dma_wait3A_144 = tpu.memref_squeeze %dma_wait3A_143 : memref<1x!tpu.dma_semaphore, #tpu.memory_space<semaphore_mem>> -> memref<!tpu.dma_semaphore, #tpu.memory_space<semaphore_mem>>
      tpu.wait_indirect_dma semaphore(%dma_wait3A_144 : memref<!tpu.dma_semaphore, #tpu.memory_space<semaphore_mem>>) src(%dma_wait3A_142 : memref<10000x64xf32, #tpu.memory_space<hbm>>) dst(%dma_wait3A_132 : memref<80x64xf32, #tpu.memory_space<vmem>>)
      %dma_start3A_145 = arith.constant 0 : i32
      %dma_start3A_146 = arith.constant 0 : i32
      %dma_start3A_147 = tpu.memref_slice %arg8[%rem3A_120, %dma_start3A_145, %dma_start3A_146] : memref<2x80x64xf32, #tpu.memory_space<vmem>> -> memref<1x80x64xf32, #tpu.memory_space<vmem>>
      %dma_start3A_148 = tpu.memref_squeeze %dma_start3A_147 : memref<1x80x64xf32, #tpu.memory_space<vmem>> -> memref<80x64xf32, #tpu.memory_space<vmem>>
      %dma_start3A_149 = arith.constant 0 : i32
      %dma_start3A_150 = tpu.memref_slice %arg7[%scan3A_119, %dma_start3A_149] : memref<125x80xi32, #tpu.memory_space<vmem>> -> memref<1x80xi32, #tpu.memory_space<vmem>>
      %dma_start3A_151 = tpu.memref_squeeze %dma_start3A_150 : memref<1x80xi32, #tpu.memory_space<vmem>> -> memref<80xi32, #tpu.memory_space<vmem>>
      %dma_start3A_152 = arith.constant 0 : i32
      %dma_start3A_153 = arith.constant 0 : i32
      %dma_start3A_154 = tpu.memref_slice %arg9[%dma_start3A_152, %dma_start3A_153] : memref<10240x64xf32, #tpu.memory_space<vmem_shared>> -> memref<10240x64xf32, #tpu.memory_space<vmem_shared>>
      %dma_start3A_155 = tpu.memref_slice %arg11[%rem3A_120] : memref<2x!tpu.dma_semaphore, #tpu.memory_space<semaphore_mem>> -> memref<1x!tpu.dma_semaphore, #tpu.memory_space<semaphore_mem>>
      %dma_start3A_156 = tpu.memref_squeeze %dma_start3A_155 : memref<1x!tpu.dma_semaphore, #tpu.memory_space<semaphore_mem>> -> memref<!tpu.dma_semaphore, #tpu.memory_space<semaphore_mem>>
      tpu.enqueue_indirect_dma source(%dma_start3A_148 : memref<80x64xf32, #tpu.memory_space<vmem>>) target(%dma_start3A_154 : memref<10240x64xf32, #tpu.memory_space<vmem_shared>>) offsets(%dma_start3A_151 : memref<80xi32, #tpu.memory_space<vmem>>) semaphore(%dma_start3A_156 : memref<!tpu.dma_semaphore, #tpu.memory_space<semaphore_mem>>) {add = true}
    }
    %scan3A_27 = arith.constant 125 : i32
    %dma_wait3A = arith.constant 1 : i32
    %dma_wait3A_28 = arith.constant 123 : i32
    %dma_wait3A_29 = arith.constant 1 : i32
    %dma_wait3A_30 = arith.constant 0 : i32
    %dma_wait3A_31 = arith.constant 0 : i32
    %dma_wait3A_32 = tpu.memref_slice %arg8[%dma_wait3A, %dma_wait3A_30, %dma_wait3A_31] : memref<2x80x64xf32, #tpu.memory_space<vmem>> -> memref<1x80x64xf32, #tpu.memory_space<vmem>>
    %dma_wait3A_33 = tpu.memref_squeeze %dma_wait3A_32 : memref<1x80x64xf32, #tpu.memory_space<vmem>> -> memref<80x64xf32, #tpu.memory_space<vmem>>
    %dma_wait3A_34 = arith.constant 0 : i32
    %dma_wait3A_35 = tpu.memref_slice %arg7[%dma_wait3A_28, %dma_wait3A_34] : memref<125x80xi32, #tpu.memory_space<vmem>> -> memref<1x80xi32, #tpu.memory_space<vmem>>
    %dma_wait3A_36 = tpu.memref_squeeze %dma_wait3A_35 : memref<1x80xi32, #tpu.memory_space<vmem>> -> memref<80xi32, #tpu.memory_space<vmem>>
    %dma_wait3A_37 = arith.constant 0 : i32
    %dma_wait3A_38 = arith.constant 0 : i32
    %dma_wait3A_39 = tpu.memref_slice %arg9[%dma_wait3A_37, %dma_wait3A_38] : memref<10240x64xf32, #tpu.memory_space<vmem_shared>> -> memref<10240x64xf32, #tpu.memory_space<vmem_shared>>
    %dma_wait3A_40 = tpu.memref_slice %arg11[%dma_wait3A_29] : memref<2x!tpu.dma_semaphore, #tpu.memory_space<semaphore_mem>> -> memref<1x!tpu.dma_semaphore, #tpu.memory_space<semaphore_mem>>
    %dma_wait3A_41 = tpu.memref_squeeze %dma_wait3A_40 : memref<1x!tpu.dma_semaphore, #tpu.memory_space<semaphore_mem>> -> memref<!tpu.dma_semaphore, #tpu.memory_space<semaphore_mem>>
    tpu.wait_indirect_dma semaphore(%dma_wait3A_41 : memref<!tpu.dma_semaphore, #tpu.memory_space<semaphore_mem>>) src(%dma_wait3A_33 : memref<80x64xf32, #tpu.memory_space<vmem>>) dst(%dma_wait3A_39 : memref<10240x64xf32, #tpu.memory_space<vmem_shared>>)
    %dma_wait3A_42 = arith.constant 0 : i32
    %dma_wait3A_43 = arith.constant 124 : i32
    %dma_wait3A_44 = arith.constant 0 : i32
    %dma_wait3A_45 = arith.constant 0 : i32
    %dma_wait3A_46 = arith.constant 0 : i32
    %dma_wait3A_47 = tpu.memref_slice %arg8[%dma_wait3A_42, %dma_wait3A_45, %dma_wait3A_46] : memref<2x80x64xf32, #tpu.memory_space<vmem>> -> memref<1x80x64xf32, #tpu.memory_space<vmem>>
    %dma_wait3A_48 = tpu.memref_squeeze %dma_wait3A_47 : memref<1x80x64xf32, #tpu.memory_space<vmem>> -> memref<80x64xf32, #tpu.memory_space<vmem>>
    %dma_wait3A_49 = arith.constant 0 : i32
    %dma_wait3A_50 = tpu.memref_slice %arg7[%dma_wait3A_43, %dma_wait3A_49] : memref<125x80xi32, #tpu.memory_space<vmem>> -> memref<1x80xi32, #tpu.memory_space<vmem>>
    %dma_wait3A_51 = tpu.memref_squeeze %dma_wait3A_50 : memref<1x80xi32, #tpu.memory_space<vmem>> -> memref<80xi32, #tpu.memory_space<vmem>>
    %dma_wait3A_52 = arith.constant 0 : i32
    %dma_wait3A_53 = arith.constant 0 : i32
    %dma_wait3A_54 = tpu.memref_slice %arg9[%dma_wait3A_52, %dma_wait3A_53] : memref<10240x64xf32, #tpu.memory_space<vmem_shared>> -> memref<10240x64xf32, #tpu.memory_space<vmem_shared>>
    %dma_wait3A_55 = tpu.memref_slice %arg11[%dma_wait3A_44] : memref<2x!tpu.dma_semaphore, #tpu.memory_space<semaphore_mem>> -> memref<1x!tpu.dma_semaphore, #tpu.memory_space<semaphore_mem>>
    %dma_wait3A_56 = tpu.memref_squeeze %dma_wait3A_55 : memref<1x!tpu.dma_semaphore, #tpu.memory_space<semaphore_mem>> -> memref<!tpu.dma_semaphore, #tpu.memory_space<semaphore_mem>>
    tpu.wait_indirect_dma semaphore(%dma_wait3A_56 : memref<!tpu.dma_semaphore, #tpu.memory_space<semaphore_mem>>) src(%dma_wait3A_48 : memref<80x64xf32, #tpu.memory_space<vmem>>) dst(%dma_wait3A_54 : memref<10240x64xf32, #tpu.memory_space<vmem_shared>>)
    %barrier3A_57 = arith.constant 0 : index
    tpu.barrier barrier_id(%barrier3A_57)
    "tpu.region"() ({
      %run_scoped3A_119 = tpu.sem_alloc : memref<!tpu.dma_semaphore, #tpu.memory_space<semaphore_mem>>
      %dma_start3A_120 = arith.constant 0 : i32
      %dma_start3A_121 = tpu.memref_slice %arg5[%add3A_4, %mul3A_0, %dma_start3A_120] : memref<4x10240x64xf32, #tpu.memory_space<hbm>> -> memref<1x640x64xf32, #tpu.memory_space<hbm>>
      %dma_start3A_122 = tpu.memref_squeeze %dma_start3A_121 : memref<1x640x64xf32, #tpu.memory_space<hbm>> -> memref<640x64xf32, #tpu.memory_space<hbm>>
      %dma_start3A_123 = arith.constant 0 : i32
      %dma_start3A_124 = tpu.memref_slice %arg9[%mul3A_0, %dma_start3A_123] : memref<10240x64xf32, #tpu.memory_space<vmem_shared>> -> memref<640x64xf32, #tpu.memory_space<vmem_shared>>
      tpu.enqueue_dma source(%dma_start3A_124 : memref<640x64xf32, #tpu.memory_space<vmem_shared>>) target(%dma_start3A_122 : memref<640x64xf32, #tpu.memory_space<hbm>>) target_semaphore(%run_scoped3A_119 : memref<!tpu.dma_semaphore, #tpu.memory_space<semaphore_mem>>)
      %dma_wait3A_125 = arith.constant 0 : i32
      %dma_wait3A_126 = tpu.memref_slice %arg5[%add3A_4, %mul3A_0, %dma_wait3A_125] : memref<4x10240x64xf32, #tpu.memory_space<hbm>> -> memref<1x640x64xf32, #tpu.memory_space<hbm>>
      %dma_wait3A_127 = tpu.memref_squeeze %dma_wait3A_126 : memref<1x640x64xf32, #tpu.memory_space<hbm>> -> memref<640x64xf32, #tpu.memory_space<hbm>>
      %dma_wait3A_128 = arith.constant 0 : i32
      %dma_wait3A_129 = tpu.memref_slice %arg9[%mul3A_0, %dma_wait3A_128] : memref<10240x64xf32, #tpu.memory_space<vmem_shared>> -> memref<640x64xf32, #tpu.memory_space<vmem_shared>>
      tpu.wait_dma2 semaphore(%run_scoped3A_119 : memref<!tpu.dma_semaphore, #tpu.memory_space<semaphore_mem>>) src(%dma_wait3A_129 : memref<640x64xf32, #tpu.memory_space<vmem_shared>>) dst(%dma_wait3A_127 : memref<640x64xf32, #tpu.memory_space<hbm>>)
      tpu.yield
    }) : () -> ()
    "tpu.region"() ({
      %run_scoped3A_119 = tpu.sem_alloc : memref<!tpu.dma_semaphore, #tpu.memory_space<semaphore_mem>>
      %dma_start3A_120 = arith.constant 0 : i32
      %dma_start3A_121 = tpu.memref_slice %arg9[%mul3A_0, %dma_start3A_120] : memref<10240x64xf32, #tpu.memory_space<vmem_shared>> -> memref<640x64xf32, #tpu.memory_space<vmem_shared>>
      %dma_start3A_122 = arith.constant 0 : i32
      %dma_start3A_123 = tpu.memref_slice %arg4[%mul3A_0, %dma_start3A_122] : memref<10240x64xf32, #tpu.memory_space<hbm>> -> memref<640x64xf32, #tpu.memory_space<hbm>>
      tpu.enqueue_dma source(%dma_start3A_123 : memref<640x64xf32, #tpu.memory_space<hbm>>) target(%dma_start3A_121 : memref<640x64xf32, #tpu.memory_space<vmem_shared>>) target_semaphore(%run_scoped3A_119 : memref<!tpu.dma_semaphore, #tpu.memory_space<semaphore_mem>>)
      %dma_wait3A_124 = arith.constant 0 : i32
      %dma_wait3A_125 = tpu.memref_slice %arg9[%mul3A_0, %dma_wait3A_124] : memref<10240x64xf32, #tpu.memory_space<vmem_shared>> -> memref<640x64xf32, #tpu.memory_space<vmem_shared>>
      %dma_wait3A_126 = arith.constant 0 : i32
      %dma_wait3A_127 = tpu.memref_slice %arg4[%mul3A_0, %dma_wait3A_126] : memref<10240x64xf32, #tpu.memory_space<hbm>> -> memref<640x64xf32, #tpu.memory_space<hbm>>
      tpu.wait_dma2 semaphore(%run_scoped3A_119 : memref<!tpu.dma_semaphore, #tpu.memory_space<semaphore_mem>>) src(%dma_wait3A_127 : memref<640x64xf32, #tpu.memory_space<hbm>>) dst(%dma_wait3A_125 : memref<640x64xf32, #tpu.memory_space<vmem_shared>>)
      tpu.yield
    }) : () -> ()
    %mul3A_58 = arith.constant 2 : i32
    %mul3A_59 = arith.muli %arg0, %mul3A_58 : i32
    %add3A_60 = arith.constant 1 : i32
    %add3A_61 = arith.addi %mul3A_59, %add3A_60 : i32
    %barrier3A_62 = arith.constant 0 : index
    tpu.barrier barrier_id(%barrier3A_62)
    %dma_start3A_63 = arith.constant 0 : i32
    %dma_start3A_64 = arith.constant 0 : i32
    %dma_start3A_65 = arith.constant 0 : i32
    %dma_start3A_66 = arith.constant 0 : i32
    %dma_start3A_67 = arith.constant 0 : i32
    %dma_start3A_68 = tpu.memref_slice %arg8[%dma_start3A_64, %dma_start3A_66, %dma_start3A_67] : memref<2x80x64xf32, #tpu.memory_space<vmem>> -> memref<1x80x64xf32, #tpu.memory_space<vmem>>
    %dma_start3A_69 = tpu.memref_squeeze %dma_start3A_68 : memref<1x80x64xf32, #tpu.memory_space<vmem>> -> memref<80x64xf32, #tpu.memory_space<vmem>>
    %dma_start3A_70 = arith.constant 0 : i32
    %dma_start3A_71 = tpu.memref_slice %arg6[%dma_start3A_63, %dma_start3A_70] : memref<125x80xi32, #tpu.memory_space<vmem>> -> memref<1x80xi32, #tpu.memory_space<vmem>>
    %dma_start3A_72 = tpu.memref_squeeze %dma_start3A_71 : memref<1x80xi32, #tpu.memory_space<vmem>> -> memref<80xi32, #tpu.memory_space<vmem>>
    %dma_start3A_73 = arith.constant 0 : i32
    %dma_start3A_74 = arith.constant 0 : i32
    %dma_start3A_75 = tpu.memref_slice %arg2[%add3A_61, %dma_start3A_73, %dma_start3A_74] : memref<4x10000x64xf32, #tpu.memory_space<hbm>> -> memref<1x10000x64xf32, #tpu.memory_space<hbm>>
    %dma_start3A_76 = tpu.memref_squeeze %dma_start3A_75 : memref<1x10000x64xf32, #tpu.memory_space<hbm>> -> memref<10000x64xf32, #tpu.memory_space<hbm>>
    %dma_start3A_77 = arith.constant 0 : i32
    %dma_start3A_78 = arith.constant 0 : i32
    %dma_start3A_79 = tpu.memref_slice %dma_start3A_76[%dma_start3A_77, %dma_start3A_78] : memref<10000x64xf32, #tpu.memory_space<hbm>> -> memref<10000x64xf32, #tpu.memory_space<hbm>>
    %dma_start3A_80 = tpu.memref_slice %arg10[%dma_start3A_65] : memref<2x!tpu.dma_semaphore, #tpu.memory_space<semaphore_mem>> -> memref<1x!tpu.dma_semaphore, #tpu.memory_space<semaphore_mem>>
    %dma_start3A_81 = tpu.memref_squeeze %dma_start3A_80 : memref<1x!tpu.dma_semaphore, #tpu.memory_space<semaphore_mem>> -> memref<!tpu.dma_semaphore, #tpu.memory_space<semaphore_mem>>
    tpu.enqueue_indirect_dma source(%dma_start3A_79 : memref<10000x64xf32, #tpu.memory_space<hbm>>) target(%dma_start3A_69 : memref<80x64xf32, #tpu.memory_space<vmem>>) offsets(%dma_start3A_72 : memref<80xi32, #tpu.memory_space<vmem>>) semaphore(%dma_start3A_81 : memref<!tpu.dma_semaphore, #tpu.memory_space<semaphore_mem>>)
    %scan3A_82 = arith.constant 0 : i32
    %scan3A_83 = arith.constant 0 : i32
    %scan3A_84 = arith.constant 125 : i32
    %scan3A_85 = arith.addi %scan3A_83, %scan3A_84 : i32
    %scan3A_86 = arith.constant 1 : i32
    scf.for %scan3A_119 = %scan3A_83 to %scan3A_85 step %scan3A_86  : i32 {
      %rem3A = arith.constant 2 : i32
      %rem3A_120 = arith.remsi %scan3A_119, %rem3A : i32
      %add3A_121 = arith.constant 1 : i32
      %add3A_122 = arith.addi %scan3A_119, %add3A_121 : i32
      %rem3A_123 = arith.constant 2 : i32
      %rem3A_124 = arith.remsi %add3A_122, %rem3A_123 : i32
      %add3A_125 = arith.constant 1 : i32
      %add3A_126 = arith.addi %scan3A_119, %add3A_125 : i32
      %lt3A = arith.constant 125 : i32
      %lt3A_127 = arith.cmpi slt, %add3A_126, %lt3A : i32
      %convert_element_type3A = arith.extui %lt3A_127 : i1 to i32
      %cond3A = arith.constant 0 : i32
      %cond3A_128 = arith.cmpi ne, %convert_element_type3A, %cond3A : i32
      scf.if %cond3A_128 {
        %ge3A = arith.constant 1 : i32
        %ge3A_157 = arith.cmpi sge, %scan3A_119, %ge3A : i32
        %convert_element_type3A_158 = arith.extui %ge3A_157 : i1 to i32
        %cond3A_159 = arith.constant 0 : i32
        %cond3A_160 = arith.cmpi ne, %convert_element_type3A_158, %cond3A_159 : i32
        scf.if %cond3A_160 {
          %sub3A = arith.constant 1 : i32
          %sub3A_179 = arith.subi %scan3A_119, %sub3A : i32
          %dma_wait3A_180 = arith.constant 0 : i32
          %dma_wait3A_181 = arith.constant 0 : i32
          %dma_wait3A_182 = tpu.memref_slice %arg8[%rem3A_124, %dma_wait3A_180, %dma_wait3A_181] : memref<2x80x64xf32, #tpu.memory_space<vmem>> -> memref<1x80x64xf32, #tpu.memory_space<vmem>>
          %dma_wait3A_183 = tpu.memref_squeeze %dma_wait3A_182 : memref<1x80x64xf32, #tpu.memory_space<vmem>> -> memref<80x64xf32, #tpu.memory_space<vmem>>
          %dma_wait3A_184 = arith.constant 0 : i32
          %dma_wait3A_185 = tpu.memref_slice %arg7[%sub3A_179, %dma_wait3A_184] : memref<125x80xi32, #tpu.memory_space<vmem>> -> memref<1x80xi32, #tpu.memory_space<vmem>>
          %dma_wait3A_186 = tpu.memref_squeeze %dma_wait3A_185 : memref<1x80xi32, #tpu.memory_space<vmem>> -> memref<80xi32, #tpu.memory_space<vmem>>
          %dma_wait3A_187 = arith.constant 0 : i32
          %dma_wait3A_188 = arith.constant 0 : i32
          %dma_wait3A_189 = tpu.memref_slice %arg9[%dma_wait3A_187, %dma_wait3A_188] : memref<10240x64xf32, #tpu.memory_space<vmem_shared>> -> memref<10240x64xf32, #tpu.memory_space<vmem_shared>>
          %dma_wait3A_190 = tpu.memref_slice %arg11[%rem3A_124] : memref<2x!tpu.dma_semaphore, #tpu.memory_space<semaphore_mem>> -> memref<1x!tpu.dma_semaphore, #tpu.memory_space<semaphore_mem>>
          %dma_wait3A_191 = tpu.memref_squeeze %dma_wait3A_190 : memref<1x!tpu.dma_semaphore, #tpu.memory_space<semaphore_mem>> -> memref<!tpu.dma_semaphore, #tpu.memory_space<semaphore_mem>>
          tpu.wait_indirect_dma semaphore(%dma_wait3A_191 : memref<!tpu.dma_semaphore, #tpu.memory_space<semaphore_mem>>) src(%dma_wait3A_183 : memref<80x64xf32, #tpu.memory_space<vmem>>) dst(%dma_wait3A_189 : memref<10240x64xf32, #tpu.memory_space<vmem_shared>>)
        } else {
        }
        %add3A_161 = arith.constant 1 : i32
        %add3A_162 = arith.addi %scan3A_119, %add3A_161 : i32
        %dma_start3A_163 = arith.constant 0 : i32
        %dma_start3A_164 = arith.constant 0 : i32
        %dma_start3A_165 = tpu.memref_slice %arg8[%rem3A_124, %dma_start3A_163, %dma_start3A_164] : memref<2x80x64xf32, #tpu.memory_space<vmem>> -> memref<1x80x64xf32, #tpu.memory_space<vmem>>
        %dma_start3A_166 = tpu.memref_squeeze %dma_start3A_165 : memref<1x80x64xf32, #tpu.memory_space<vmem>> -> memref<80x64xf32, #tpu.memory_space<vmem>>
        %dma_start3A_167 = arith.constant 0 : i32
        %dma_start3A_168 = tpu.memref_slice %arg6[%add3A_162, %dma_start3A_167] : memref<125x80xi32, #tpu.memory_space<vmem>> -> memref<1x80xi32, #tpu.memory_space<vmem>>
        %dma_start3A_169 = tpu.memref_squeeze %dma_start3A_168 : memref<1x80xi32, #tpu.memory_space<vmem>> -> memref<80xi32, #tpu.memory_space<vmem>>
        %dma_start3A_170 = arith.constant 0 : i32
        %dma_start3A_171 = arith.constant 0 : i32
        %dma_start3A_172 = tpu.memref_slice %arg2[%add3A_61, %dma_start3A_170, %dma_start3A_171] : memref<4x10000x64xf32, #tpu.memory_space<hbm>> -> memref<1x10000x64xf32, #tpu.memory_space<hbm>>
        %dma_start3A_173 = tpu.memref_squeeze %dma_start3A_172 : memref<1x10000x64xf32, #tpu.memory_space<hbm>> -> memref<10000x64xf32, #tpu.memory_space<hbm>>
        %dma_start3A_174 = arith.constant 0 : i32
        %dma_start3A_175 = arith.constant 0 : i32
        %dma_start3A_176 = tpu.memref_slice %dma_start3A_173[%dma_start3A_174, %dma_start3A_175] : memref<10000x64xf32, #tpu.memory_space<hbm>> -> memref<10000x64xf32, #tpu.memory_space<hbm>>
        %dma_start3A_177 = tpu.memref_slice %arg10[%rem3A_124] : memref<2x!tpu.dma_semaphore, #tpu.memory_space<semaphore_mem>> -> memref<1x!tpu.dma_semaphore, #tpu.memory_space<semaphore_mem>>
        %dma_start3A_178 = tpu.memref_squeeze %dma_start3A_177 : memref<1x!tpu.dma_semaphore, #tpu.memory_space<semaphore_mem>> -> memref<!tpu.dma_semaphore, #tpu.memory_space<semaphore_mem>>
        tpu.enqueue_indirect_dma source(%dma_start3A_176 : memref<10000x64xf32, #tpu.memory_space<hbm>>) target(%dma_start3A_166 : memref<80x64xf32, #tpu.memory_space<vmem>>) offsets(%dma_start3A_169 : memref<80xi32, #tpu.memory_space<vmem>>) semaphore(%dma_start3A_178 : memref<!tpu.dma_semaphore, #tpu.memory_space<semaphore_mem>>)
      } else {
      }
      %dma_wait3A_129 = arith.constant 0 : i32
      %dma_wait3A_130 = arith.constant 0 : i32
      %dma_wait3A_131 = tpu.memref_slice %arg8[%rem3A_120, %dma_wait3A_129, %dma_wait3A_130] : memref<2x80x64xf32, #tpu.memory_space<vmem>> -> memref<1x80x64xf32, #tpu.memory_space<vmem>>
      %dma_wait3A_132 = tpu.memref_squeeze %dma_wait3A_131 : memref<1x80x64xf32, #tpu.memory_space<vmem>> -> memref<80x64xf32, #tpu.memory_space<vmem>>
      %dma_wait3A_133 = arith.constant 0 : i32
      %dma_wait3A_134 = tpu.memref_slice %arg6[%scan3A_119, %dma_wait3A_133] : memref<125x80xi32, #tpu.memory_space<vmem>> -> memref<1x80xi32, #tpu.memory_space<vmem>>
      %dma_wait3A_135 = tpu.memref_squeeze %dma_wait3A_134 : memref<1x80xi32, #tpu.memory_space<vmem>> -> memref<80xi32, #tpu.memory_space<vmem>>
      %dma_wait3A_136 = arith.constant 0 : i32
      %dma_wait3A_137 = arith.constant 0 : i32
      %dma_wait3A_138 = tpu.memref_slice %arg2[%add3A_61, %dma_wait3A_136, %dma_wait3A_137] : memref<4x10000x64xf32, #tpu.memory_space<hbm>> -> memref<1x10000x64xf32, #tpu.memory_space<hbm>>
      %dma_wait3A_139 = tpu.memref_squeeze %dma_wait3A_138 : memref<1x10000x64xf32, #tpu.memory_space<hbm>> -> memref<10000x64xf32, #tpu.memory_space<hbm>>
      %dma_wait3A_140 = arith.constant 0 : i32
      %dma_wait3A_141 = arith.constant 0 : i32
      %dma_wait3A_142 = tpu.memref_slice %dma_wait3A_139[%dma_wait3A_140, %dma_wait3A_141] : memref<10000x64xf32, #tpu.memory_space<hbm>> -> memref<10000x64xf32, #tpu.memory_space<hbm>>
      %dma_wait3A_143 = tpu.memref_slice %arg10[%rem3A_120] : memref<2x!tpu.dma_semaphore, #tpu.memory_space<semaphore_mem>> -> memref<1x!tpu.dma_semaphore, #tpu.memory_space<semaphore_mem>>
      %dma_wait3A_144 = tpu.memref_squeeze %dma_wait3A_143 : memref<1x!tpu.dma_semaphore, #tpu.memory_space<semaphore_mem>> -> memref<!tpu.dma_semaphore, #tpu.memory_space<semaphore_mem>>
      tpu.wait_indirect_dma semaphore(%dma_wait3A_144 : memref<!tpu.dma_semaphore, #tpu.memory_space<semaphore_mem>>) src(%dma_wait3A_142 : memref<10000x64xf32, #tpu.memory_space<hbm>>) dst(%dma_wait3A_132 : memref<80x64xf32, #tpu.memory_space<vmem>>)
      %dma_start3A_145 = arith.constant 0 : i32
      %dma_start3A_146 = arith.constant 0 : i32
      %dma_start3A_147 = tpu.memref_slice %arg8[%rem3A_120, %dma_start3A_145, %dma_start3A_146] : memref<2x80x64xf32, #tpu.memory_space<vmem>> -> memref<1x80x64xf32, #tpu.memory_space<vmem>>
      %dma_start3A_148 = tpu.memref_squeeze %dma_start3A_147 : memref<1x80x64xf32, #tpu.memory_space<vmem>> -> memref<80x64xf32, #tpu.memory_space<vmem>>
      %dma_start3A_149 = arith.constant 0 : i32
      %dma_start3A_150 = tpu.memref_slice %arg7[%scan3A_119, %dma_start3A_149] : memref<125x80xi32, #tpu.memory_space<vmem>> -> memref<1x80xi32, #tpu.memory_space<vmem>>
      %dma_start3A_151 = tpu.memref_squeeze %dma_start3A_150 : memref<1x80xi32, #tpu.memory_space<vmem>> -> memref<80xi32, #tpu.memory_space<vmem>>
      %dma_start3A_152 = arith.constant 0 : i32
      %dma_start3A_153 = arith.constant 0 : i32
      %dma_start3A_154 = tpu.memref_slice %arg9[%dma_start3A_152, %dma_start3A_153] : memref<10240x64xf32, #tpu.memory_space<vmem_shared>> -> memref<10240x64xf32, #tpu.memory_space<vmem_shared>>
      %dma_start3A_155 = tpu.memref_slice %arg11[%rem3A_120] : memref<2x!tpu.dma_semaphore, #tpu.memory_space<semaphore_mem>> -> memref<1x!tpu.dma_semaphore, #tpu.memory_space<semaphore_mem>>
      %dma_start3A_156 = tpu.memref_squeeze %dma_start3A_155 : memref<1x!tpu.dma_semaphore, #tpu.memory_space<semaphore_mem>> -> memref<!tpu.dma_semaphore, #tpu.memory_space<semaphore_mem>>
      tpu.enqueue_indirect_dma source(%dma_start3A_148 : memref<80x64xf32, #tpu.memory_space<vmem>>) target(%dma_start3A_154 : memref<10240x64xf32, #tpu.memory_space<vmem_shared>>) offsets(%dma_start3A_151 : memref<80xi32, #tpu.memory_space<vmem>>) semaphore(%dma_start3A_156 : memref<!tpu.dma_semaphore, #tpu.memory_space<semaphore_mem>>) {add = true}
    }
    %scan3A_87 = arith.constant 125 : i32
    %dma_wait3A_88 = arith.constant 1 : i32
    %dma_wait3A_89 = arith.constant 123 : i32
    %dma_wait3A_90 = arith.constant 1 : i32
    %dma_wait3A_91 = arith.constant 0 : i32
    %dma_wait3A_92 = arith.constant 0 : i32
    %dma_wait3A_93 = tpu.memref_slice %arg8[%dma_wait3A_88, %dma_wait3A_91, %dma_wait3A_92] : memref<2x80x64xf32, #tpu.memory_space<vmem>> -> memref<1x80x64xf32, #tpu.memory_space<vmem>>
    %dma_wait3A_94 = tpu.memref_squeeze %dma_wait3A_93 : memref<1x80x64xf32, #tpu.memory_space<vmem>> -> memref<80x64xf32, #tpu.memory_space<vmem>>
    %dma_wait3A_95 = arith.constant 0 : i32
    %dma_wait3A_96 = tpu.memref_slice %arg7[%dma_wait3A_89, %dma_wait3A_95] : memref<125x80xi32, #tpu.memory_space<vmem>> -> memref<1x80xi32, #tpu.memory_space<vmem>>
    %dma_wait3A_97 = tpu.memref_squeeze %dma_wait3A_96 : memref<1x80xi32, #tpu.memory_space<vmem>> -> memref<80xi32, #tpu.memory_space<vmem>>
    %dma_wait3A_98 = arith.constant 0 : i32
    %dma_wait3A_99 = arith.constant 0 : i32
    %dma_wait3A_100 = tpu.memref_slice %arg9[%dma_wait3A_98, %dma_wait3A_99] : memref<10240x64xf32, #tpu.memory_space<vmem_shared>> -> memref<10240x64xf32, #tpu.memory_space<vmem_shared>>
    %dma_wait3A_101 = tpu.memref_slice %arg11[%dma_wait3A_90] : memref<2x!tpu.dma_semaphore, #tpu.memory_space<semaphore_mem>> -> memref<1x!tpu.dma_semaphore, #tpu.memory_space<semaphore_mem>>
    %dma_wait3A_102 = tpu.memref_squeeze %dma_wait3A_101 : memref<1x!tpu.dma_semaphore, #tpu.memory_space<semaphore_mem>> -> memref<!tpu.dma_semaphore, #tpu.memory_space<semaphore_mem>>
    tpu.wait_indirect_dma semaphore(%dma_wait3A_102 : memref<!tpu.dma_semaphore, #tpu.memory_space<semaphore_mem>>) src(%dma_wait3A_94 : memref<80x64xf32, #tpu.memory_space<vmem>>) dst(%dma_wait3A_100 : memref<10240x64xf32, #tpu.memory_space<vmem_shared>>)
    %dma_wait3A_103 = arith.constant 0 : i32
    %dma_wait3A_104 = arith.constant 124 : i32
    %dma_wait3A_105 = arith.constant 0 : i32
    %dma_wait3A_106 = arith.constant 0 : i32
    %dma_wait3A_107 = arith.constant 0 : i32
    %dma_wait3A_108 = tpu.memref_slice %arg8[%dma_wait3A_103, %dma_wait3A_106, %dma_wait3A_107] : memref<2x80x64xf32, #tpu.memory_space<vmem>> -> memref<1x80x64xf32, #tpu.memory_space<vmem>>
    %dma_wait3A_109 = tpu.memref_squeeze %dma_wait3A_108 : memref<1x80x64xf32, #tpu.memory_space<vmem>> -> memref<80x64xf32, #tpu.memory_space<vmem>>
    %dma_wait3A_110 = arith.constant 0 : i32
    %dma_wait3A_111 = tpu.memref_slice %arg7[%dma_wait3A_104, %dma_wait3A_110] : memref<125x80xi32, #tpu.memory_space<vmem>> -> memref<1x80xi32, #tpu.memory_space<vmem>>
    %dma_wait3A_112 = tpu.memref_squeeze %dma_wait3A_111 : memref<1x80xi32, #tpu.memory_space<vmem>> -> memref<80xi32, #tpu.memory_space<vmem>>
    %dma_wait3A_113 = arith.constant 0 : i32
    %dma_wait3A_114 = arith.constant 0 : i32
    %dma_wait3A_115 = tpu.memref_slice %arg9[%dma_wait3A_113, %dma_wait3A_114] : memref<10240x64xf32, #tpu.memory_space<vmem_shared>> -> memref<10240x64xf32, #tpu.memory_space<vmem_shared>>
    %dma_wait3A_116 = tpu.memref_slice %arg11[%dma_wait3A_105] : memref<2x!tpu.dma_semaphore, #tpu.memory_space<semaphore_mem>> -> memref<1x!tpu.dma_semaphore, #tpu.memory_space<semaphore_mem>>
    %dma_wait3A_117 = tpu.memref_squeeze %dma_wait3A_116 : memref<1x!tpu.dma_semaphore, #tpu.memory_space<semaphore_mem>> -> memref<!tpu.dma_semaphore, #tpu.memory_space<semaphore_mem>>
    tpu.wait_indirect_dma semaphore(%dma_wait3A_117 : memref<!tpu.dma_semaphore, #tpu.memory_space<semaphore_mem>>) src(%dma_wait3A_109 : memref<80x64xf32, #tpu.memory_space<vmem>>) dst(%dma_wait3A_115 : memref<10240x64xf32, #tpu.memory_space<vmem_shared>>)
    %barrier3A_118 = arith.constant 0 : index
    tpu.barrier barrier_id(%barrier3A_118)
    "tpu.region"() ({
      %run_scoped3A_119 = tpu.sem_alloc : memref<!tpu.dma_semaphore, #tpu.memory_space<semaphore_mem>>
      %dma_start3A_120 = arith.constant 0 : i32
      %dma_start3A_121 = tpu.memref_slice %arg5[%add3A_61, %mul3A_0, %dma_start3A_120] : memref<4x10240x64xf32, #tpu.memory_space<hbm>> -> memref<1x640x64xf32, #tpu.memory_space<hbm>>
      %dma_start3A_122 = tpu.memref_squeeze %dma_start3A_121 : memref<1x640x64xf32, #tpu.memory_space<hbm>> -> memref<640x64xf32, #tpu.memory_space<hbm>>
      %dma_start3A_123 = arith.constant 0 : i32
      %dma_start3A_124 = tpu.memref_slice %arg9[%mul3A_0, %dma_start3A_123] : memref<10240x64xf32, #tpu.memory_space<vmem_shared>> -> memref<640x64xf32, #tpu.memory_space<vmem_shared>>
      tpu.enqueue_dma source(%dma_start3A_124 : memref<640x64xf32, #tpu.memory_space<vmem_shared>>) target(%dma_start3A_122 : memref<640x64xf32, #tpu.memory_space<hbm>>) target_semaphore(%run_scoped3A_119 : memref<!tpu.dma_semaphore, #tpu.memory_space<semaphore_mem>>)
      %dma_wait3A_125 = arith.constant 0 : i32
      %dma_wait3A_126 = tpu.memref_slice %arg5[%add3A_61, %mul3A_0, %dma_wait3A_125] : memref<4x10240x64xf32, #tpu.memory_space<hbm>> -> memref<1x640x64xf32, #tpu.memory_space<hbm>>
      %dma_wait3A_127 = tpu.memref_squeeze %dma_wait3A_126 : memref<1x640x64xf32, #tpu.memory_space<hbm>> -> memref<640x64xf32, #tpu.memory_space<hbm>>
      %dma_wait3A_128 = arith.constant 0 : i32
      %dma_wait3A_129 = tpu.memref_slice %arg9[%mul3A_0, %dma_wait3A_128] : memref<10240x64xf32, #tpu.memory_space<vmem_shared>> -> memref<640x64xf32, #tpu.memory_space<vmem_shared>>
      tpu.wait_dma2 semaphore(%run_scoped3A_119 : memref<!tpu.dma_semaphore, #tpu.memory_space<semaphore_mem>>) src(%dma_wait3A_129 : memref<640x64xf32, #tpu.memory_space<vmem_shared>>) dst(%dma_wait3A_127 : memref<640x64xf32, #tpu.memory_space<hbm>>)
      tpu.yield
    }) : () -> ()
    return
  }
}

module attributes {stable_mosaic.version = 14 : i64} {
  func.func @_scale_body(%arg0: i32, %arg1: memref<2000x256xf32, #tpu.memory_space<vmem>>, %arg2: memref<1x2000x8xf32, #tpu.memory_space<vmem>>, %arg3: memref<4x2000x64xf32, #tpu.memory_space<vmem>>) attributes {dimension_semantics = [#tpu.dimension_semantics<arbitrary>], iteration_bounds = array<i64: 5>, scalar_prefetch = 0 : i64, scratch_operands = 0 : i64, tpu.core_type = #tpu.core_type<tc>, window_params = [{transform_indices = @transform_0, window_bounds = array<i64: 2000, 256>}, {transform_indices = @transform_1, window_bounds = array<i64: 1, 2000, 8>}, {transform_indices = @transform_2, window_bounds = array<i64: 4, 2000, 64>}]} {
    %get3A = arith.constant 0 : index
    %get3A_0 = arith.constant 0 : index
    %get3A_1 = arith.constant 0 : index
    %get3A_2 = vector.load %arg2[%get3A, %get3A_0, %get3A_1] : memref<1x2000x8xf32, #tpu.memory_space<vmem>>, vector<1x2000x1xf32>
    %get3A_3 = vector.shape_cast %get3A_2 : vector<1x2000x1xf32> to vector<2000x1xf32>
    %max3A = arith.constant 1.000000e+00 : f32
    %max3A_4 = vector.broadcast %max3A : f32 to vector<2000x1xf32>
    %max3A_5 = arith.maximumf %get3A_3, %max3A_4 : vector<2000x1xf32>
    %rsqrt3A = math.rsqrt %max3A_5 : vector<2000x1xf32>
    %get3A_6 = arith.constant 0 : index
    %get3A_7 = arith.constant 0 : index
    %get3A_8 = vector.load %arg1[%get3A_6, %get3A_7] : memref<2000x256xf32, #tpu.memory_space<vmem>>, vector<2000x256xf32>
    %mul3A = vector.broadcast %rsqrt3A : vector<2000x1xf32> to vector<2000x256xf32>
    %mul3A_9 = arith.mulf %get3A_8, %mul3A : vector<2000x256xf32>
    %slice3A = vector.extract_strided_slice %mul3A_9 {offsets = [0, 0], sizes = [2000, 64], strides = [1, 1]} : vector<2000x256xf32> to vector<2000x64xf32>
    %swap3A = arith.constant 0 : index
    %swap3A_10 = arith.constant 0 : index
    %swap3A_11 = arith.constant 0 : index
    %swap3A_12 = vector.load %arg3[%swap3A, %swap3A_10, %swap3A_11] : memref<4x2000x64xf32, #tpu.memory_space<vmem>>, vector<1x2000x64xf32>
    %swap3A_13 = vector.shape_cast %swap3A_12 : vector<1x2000x64xf32> to vector<2000x64xf32>
    %swap3A_14 = vector.shape_cast %slice3A : vector<2000x64xf32> to vector<1x2000x64xf32>
    tpu.vector_store %arg3[%swap3A, %swap3A_10, %swap3A_11], %swap3A_14 {strides = array<i32>} : memref<4x2000x64xf32, #tpu.memory_space<vmem>>, vector<1x2000x64xf32>,
    %slice3A_15 = vector.extract_strided_slice %mul3A_9 {offsets = [0, 64], sizes = [2000, 64], strides = [1, 1]} : vector<2000x256xf32> to vector<2000x64xf32>
    %swap3A_16 = arith.constant 1 : index
    %swap3A_17 = arith.constant 0 : index
    %swap3A_18 = arith.constant 0 : index
    %swap3A_19 = vector.load %arg3[%swap3A_16, %swap3A_17, %swap3A_18] : memref<4x2000x64xf32, #tpu.memory_space<vmem>>, vector<1x2000x64xf32>
    %swap3A_20 = vector.shape_cast %swap3A_19 : vector<1x2000x64xf32> to vector<2000x64xf32>
    %swap3A_21 = vector.shape_cast %slice3A_15 : vector<2000x64xf32> to vector<1x2000x64xf32>
    tpu.vector_store %arg3[%swap3A_16, %swap3A_17, %swap3A_18], %swap3A_21 {strides = array<i32>} : memref<4x2000x64xf32, #tpu.memory_space<vmem>>, vector<1x2000x64xf32>,
    %slice3A_22 = vector.extract_strided_slice %mul3A_9 {offsets = [0, 128], sizes = [2000, 64], strides = [1, 1]} : vector<2000x256xf32> to vector<2000x64xf32>
    %swap3A_23 = arith.constant 2 : index
    %swap3A_24 = arith.constant 0 : index
    %swap3A_25 = arith.constant 0 : index
    %swap3A_26 = vector.load %arg3[%swap3A_23, %swap3A_24, %swap3A_25] : memref<4x2000x64xf32, #tpu.memory_space<vmem>>, vector<1x2000x64xf32>
    %swap3A_27 = vector.shape_cast %swap3A_26 : vector<1x2000x64xf32> to vector<2000x64xf32>
    %swap3A_28 = vector.shape_cast %slice3A_22 : vector<2000x64xf32> to vector<1x2000x64xf32>
    tpu.vector_store %arg3[%swap3A_23, %swap3A_24, %swap3A_25], %swap3A_28 {strides = array<i32>} : memref<4x2000x64xf32, #tpu.memory_space<vmem>>, vector<1x2000x64xf32>,
    %slice3A_29 = vector.extract_strided_slice %mul3A_9 {offsets = [0, 192], sizes = [2000, 64], strides = [1, 1]} : vector<2000x256xf32> to vector<2000x64xf32>
    %swap3A_30 = arith.constant 3 : index
    %swap3A_31 = arith.constant 0 : index
    %swap3A_32 = arith.constant 0 : index
    %swap3A_33 = vector.load %arg3[%swap3A_30, %swap3A_31, %swap3A_32] : memref<4x2000x64xf32, #tpu.memory_space<vmem>>, vector<1x2000x64xf32>
    %swap3A_34 = vector.shape_cast %swap3A_33 : vector<1x2000x64xf32> to vector<2000x64xf32>
    %swap3A_35 = vector.shape_cast %slice3A_29 : vector<2000x64xf32> to vector<1x2000x64xf32>
    tpu.vector_store %arg3[%swap3A_30, %swap3A_31, %swap3A_32], %swap3A_35 {strides = array<i32>} : memref<4x2000x64xf32, #tpu.memory_space<vmem>>, vector<1x2000x64xf32>,
    return
  }
  func.func @transform_0(%arg0: i32) -> (i32, i32) {
    %c0_i32 = arith.constant 0 : i32
    %c0_i32_0 = arith.constant 0 : i32
    return %arg0, %c0_i32 : i32, i32
  }
  func.func @transform_1(%arg0: i32) -> (i32, i32, i32) {
    %c0_i32 = arith.constant 0 : i32
    %c0_i32_0 = arith.constant 0 : i32
    %c0_i32_1 = arith.constant 0 : i32
    return %c0_i32, %arg0, %c0_i32_0 : i32, i32, i32
  }
  func.func @transform_2(%arg0: i32) -> (i32, i32, i32) {
    %c0_i32 = arith.constant 0 : i32
    %c0_i32_0 = arith.constant 0 : i32
    %c0_i32_1 = arith.constant 0 : i32
    return %c0_i32, %arg0, %c0_i32_0 : i32, i32, i32
  }
}

module attributes {stable_mosaic.version = 14 : i64} {
  func.func @_gru_body(%arg0: i32, %arg1: memref<4x2000x64xf32, #tpu.memory_space<vmem>>, %arg2: memref<1x2000x8xf32, #tpu.memory_space<vmem>>, %arg3: memref<256x256xf32, #tpu.memory_space<vmem>>, %arg4: memref<1x256xf32, #tpu.memory_space<vmem>>, %arg5: memref<768x256xf32, #tpu.memory_space<vmem>>, %arg6: memref<1x768xf32, #tpu.memory_space<vmem>>, %arg7: memref<1x768xf32, #tpu.memory_space<vmem>>, %arg8: memref<2000x256xf32, #tpu.memory_space<vmem>>) attributes {dimension_semantics = [#tpu.dimension_semantics<arbitrary>], iteration_bounds = array<i64: 5>, scalar_prefetch = 0 : i64, scratch_operands = 0 : i64, tpu.core_type = #tpu.core_type<tc>, window_params = [{transform_indices = @transform_0, window_bounds = array<i64: 4, 2000, 64>}, {transform_indices = @transform_1, window_bounds = array<i64: 1, 2000, 8>}, {pipeline_mode = #tpu.pipeline_mode<synchronous>, transform_indices = @transform_2, window_bounds = array<i64: 256, 256>}, {pipeline_mode = #tpu.pipeline_mode<synchronous>, transform_indices = @transform_3, window_bounds = array<i64: 1, 256>}, {pipeline_mode = #tpu.pipeline_mode<synchronous>, transform_indices = @transform_4, window_bounds = array<i64: 768, 256>}, {pipeline_mode = #tpu.pipeline_mode<synchronous>, transform_indices = @transform_5, window_bounds = array<i64: 1, 768>}, {pipeline_mode = #tpu.pipeline_mode<synchronous>, transform_indices = @transform_6, window_bounds = array<i64: 1, 768>}, {transform_indices = @transform_7, window_bounds = array<i64: 2000, 256>}]} {
    %get3A = arith.constant 0 : index
    %get3A_0 = arith.constant 0 : index
    %get3A_1 = arith.constant 0 : index
    %get3A_2 = vector.load %arg2[%get3A, %get3A_0, %get3A_1] : memref<1x2000x8xf32, #tpu.memory_space<vmem>>, vector<1x2000x1xf32>
    %get3A_3 = vector.shape_cast %get3A_2 : vector<1x2000x1xf32> to vector<2000x1xf32>
    %max3A = arith.constant 1.000000e+00 : f32
    %max3A_4 = vector.broadcast %max3A : f32 to vector<2000x1xf32>
    %max3A_5 = arith.maximumf %get3A_3, %max3A_4 : vector<2000x1xf32>
    %rsqrt3A = math.rsqrt %max3A_5 : vector<2000x1xf32>
    %get3A_6 = arith.constant 0 : index
    %get3A_7 = arith.constant 0 : index
    %get3A_8 = vector.load %arg4[%get3A_6, %get3A_7] : memref<1x256xf32, #tpu.memory_space<vmem>>, vector<1x256xf32>
    %get3A_9 = arith.constant 0 : index
    %get3A_10 = arith.constant 0 : index
    %get3A_11 = arith.constant 0 : index
    %get3A_12 = vector.load %arg1[%get3A_9, %get3A_10, %get3A_11] : memref<4x2000x64xf32, #tpu.memory_space<vmem>>, vector<1x2000x64xf32>
    %get3A_13 = vector.shape_cast %get3A_12 : vector<1x2000x64xf32> to vector<2000x64xf32>
    %mul3A = vector.broadcast %rsqrt3A : vector<2000x1xf32> to vector<2000x64xf32>
    %mul3A_14 = arith.mulf %get3A_13, %mul3A : vector<2000x64xf32>
    %get3A_15 = arith.constant 0 : index
    %get3A_16 = arith.constant 0 : index
    %get3A_17 = vector.load %arg3[%get3A_15, %get3A_16] : memref<256x256xf32, #tpu.memory_space<vmem>>, vector<64x256xf32>
    %dot_general3A = arith.constant dense<0.000000e+00> : vector<2000x256xf32>
    %dot_general3A_18 = tpu.matmul %mul3A_14, %get3A_17, %dot_general3A {dimension_numbers = #tpu.dot_dimension_numbers<[1], [0], [0], [1], [0, 0, 1, 1], [], []>, transpose_lhs_hint = false} : vector<2000x64xf32>, vector<64x256xf32>, vector<2000x256xf32> -> vector<2000x256xf32>
    %add3A = vector.broadcast %get3A_8 : vector<1x256xf32> to vector<2000x256xf32>
    %add3A_19 = arith.addf %add3A, %dot_general3A_18 : vector<2000x256xf32>
    %get3A_20 = arith.constant 1 : index
    %get3A_21 = arith.constant 0 : index
    %get3A_22 = arith.constant 0 : index
    %get3A_23 = vector.load %arg1[%get3A_20, %get3A_21, %get3A_22] : memref<4x2000x64xf32, #tpu.memory_space<vmem>>, vector<1x2000x64xf32>
    %get3A_24 = vector.shape_cast %get3A_23 : vector<1x2000x64xf32> to vector<2000x64xf32>
    %mul3A_25 = vector.broadcast %rsqrt3A : vector<2000x1xf32> to vector<2000x64xf32>
    %mul3A_26 = arith.mulf %get3A_24, %mul3A_25 : vector<2000x64xf32>
    %get3A_27 = arith.constant 64 : index
    %get3A_28 = arith.constant 0 : index
    %get3A_29 = vector.load %arg3[%get3A_27, %get3A_28] : memref<256x256xf32, #tpu.memory_space<vmem>>, vector<64x256xf32>
    %dot_general3A_30 = arith.constant dense<0.000000e+00> : vector<2000x256xf32>
    %dot_general3A_31 = tpu.matmul %mul3A_26, %get3A_29, %dot_general3A_30 {dimension_numbers = #tpu.dot_dimension_numbers<[1], [0], [0], [1], [0, 0, 1, 1], [], []>, transpose_lhs_hint = false} : vector<2000x64xf32>, vector<64x256xf32>, vector<2000x256xf32> -> vector<2000x256xf32>
    %add3A_32 = arith.addf %add3A_19, %dot_general3A_31 : vector<2000x256xf32>
    %get3A_33 = arith.constant 2 : index
    %get3A_34 = arith.constant 0 : index
    %get3A_35 = arith.constant 0 : index
    %get3A_36 = vector.load %arg1[%get3A_33, %get3A_34, %get3A_35] : memref<4x2000x64xf32, #tpu.memory_space<vmem>>, vector<1x2000x64xf32>
    %get3A_37 = vector.shape_cast %get3A_36 : vector<1x2000x64xf32> to vector<2000x64xf32>
    %mul3A_38 = vector.broadcast %rsqrt3A : vector<2000x1xf32> to vector<2000x64xf32>
    %mul3A_39 = arith.mulf %get3A_37, %mul3A_38 : vector<2000x64xf32>
    %get3A_40 = arith.constant 128 : index
    %get3A_41 = arith.constant 0 : index
    %get3A_42 = vector.load %arg3[%get3A_40, %get3A_41] : memref<256x256xf32, #tpu.memory_space<vmem>>, vector<64x256xf32>
    %dot_general3A_43 = arith.constant dense<0.000000e+00> : vector<2000x256xf32>
    %dot_general3A_44 = tpu.matmul %mul3A_39, %get3A_42, %dot_general3A_43 {dimension_numbers = #tpu.dot_dimension_numbers<[1], [0], [0], [1], [0, 0, 1, 1], [], []>, transpose_lhs_hint = false} : vector<2000x64xf32>, vector<64x256xf32>, vector<2000x256xf32> -> vector<2000x256xf32>
    %add3A_45 = arith.addf %add3A_32, %dot_general3A_44 : vector<2000x256xf32>
    %get3A_46 = arith.constant 3 : index
    %get3A_47 = arith.constant 0 : index
    %get3A_48 = arith.constant 0 : index
    %get3A_49 = vector.load %arg1[%get3A_46, %get3A_47, %get3A_48] : memref<4x2000x64xf32, #tpu.memory_space<vmem>>, vector<1x2000x64xf32>
    %get3A_50 = vector.shape_cast %get3A_49 : vector<1x2000x64xf32> to vector<2000x64xf32>
    %mul3A_51 = vector.broadcast %rsqrt3A : vector<2000x1xf32> to vector<2000x64xf32>
    %mul3A_52 = arith.mulf %get3A_50, %mul3A_51 : vector<2000x64xf32>
    %get3A_53 = arith.constant 192 : index
    %get3A_54 = arith.constant 0 : index
    %get3A_55 = vector.load %arg3[%get3A_53, %get3A_54] : memref<256x256xf32, #tpu.memory_space<vmem>>, vector<64x256xf32>
    %dot_general3A_56 = arith.constant dense<0.000000e+00> : vector<2000x256xf32>
    %dot_general3A_57 = tpu.matmul %mul3A_52, %get3A_55, %dot_general3A_56 {dimension_numbers = #tpu.dot_dimension_numbers<[1], [0], [0], [1], [0, 0, 1, 1], [], []>, transpose_lhs_hint = false} : vector<2000x64xf32>, vector<64x256xf32>, vector<2000x256xf32> -> vector<2000x256xf32>
    %add3A_58 = arith.addf %add3A_45, %dot_general3A_57 : vector<2000x256xf32>
    %max3A_59 = arith.constant 0.000000e+00 : f32
    %max3A_60 = vector.broadcast %max3A_59 : f32 to vector<2000x256xf32>
    %max3A_61 = arith.maximumf %add3A_58, %max3A_60 : vector<2000x256xf32>
    %get3A_62 = arith.constant 0 : index
    %get3A_63 = arith.constant 0 : index
    %get3A_64 = vector.load %arg5[%get3A_62, %get3A_63] : memref<768x256xf32, #tpu.memory_space<vmem>>, vector<768x256xf32>
    %dot_general3A_65 = arith.constant dense<0.000000e+00> : vector<2000x768xf32>
    %dot_general3A_66 = tpu.matmul %max3A_61, %get3A_64, %dot_general3A_65 {dimension_numbers = #tpu.dot_dimension_numbers<[1], [1], [0], [0], [0, 0, 1, 0], [], []>, transpose_lhs_hint = false} : vector<2000x256xf32>, vector<768x256xf32>, vector<2000x768xf32> -> vector<2000x768xf32>
    %get3A_67 = arith.constant 0 : index
    %get3A_68 = arith.constant 0 : index
    %get3A_69 = vector.load %arg6[%get3A_67, %get3A_68] : memref<1x768xf32, #tpu.memory_space<vmem>>, vector<1x768xf32>
    %add3A_70 = vector.broadcast %get3A_69 : vector<1x768xf32> to vector<2000x768xf32>
    %add3A_71 = arith.addf %dot_general3A_66, %add3A_70 : vector<2000x768xf32>
    %get3A_72 = arith.constant 0 : index
    %get3A_73 = arith.constant 0 : index
    %get3A_74 = vector.load %arg7[%get3A_72, %get3A_73] : memref<1x768xf32, #tpu.memory_space<vmem>>, vector<1x768xf32>
    %slice3A = vector.extract_strided_slice %add3A_71 {offsets = [0, 0], sizes = [2000, 256], strides = [1, 1]} : vector<2000x768xf32> to vector<2000x256xf32>
    %slice3A_75 = vector.extract_strided_slice %get3A_74 {offsets = [0, 0], sizes = [1, 256], strides = [1, 1]} : vector<1x768xf32> to vector<1x256xf32>
    %add3A_76 = vector.broadcast %slice3A_75 : vector<1x256xf32> to vector<2000x256xf32>
    %add3A_77 = arith.addf %slice3A, %add3A_76 : vector<2000x256xf32>
    %logistic3A = arith.negf %add3A_77 : vector<2000x256xf32>
    %logistic3A_78 = math.exp %logistic3A : vector<2000x256xf32>
    %logistic3A_79 = arith.constant 1.000000e+00 : f32
    %logistic3A_80 = vector.broadcast %logistic3A_79 : f32 to vector<2000x256xf32>
    %logistic3A_81 = arith.addf %logistic3A_80, %logistic3A_78 : vector<2000x256xf32>
    %logistic3A_82 = arith.divf %logistic3A_80, %logistic3A_81 : vector<2000x256xf32>
    %slice3A_83 = vector.extract_strided_slice %add3A_71 {offsets = [0, 256], sizes = [2000, 256], strides = [1, 1]} : vector<2000x768xf32> to vector<2000x256xf32>
    %slice3A_84 = vector.extract_strided_slice %get3A_74 {offsets = [0, 256], sizes = [1, 256], strides = [1, 1]} : vector<1x768xf32> to vector<1x256xf32>
    %add3A_85 = vector.broadcast %slice3A_84 : vector<1x256xf32> to vector<2000x256xf32>
    %add3A_86 = arith.addf %slice3A_83, %add3A_85 : vector<2000x256xf32>
    %logistic3A_87 = arith.negf %add3A_86 : vector<2000x256xf32>
    %logistic3A_88 = math.exp %logistic3A_87 : vector<2000x256xf32>
    %logistic3A_89 = arith.constant 1.000000e+00 : f32
    %logistic3A_90 = vector.broadcast %logistic3A_89 : f32 to vector<2000x256xf32>
    %logistic3A_91 = arith.addf %logistic3A_90, %logistic3A_88 : vector<2000x256xf32>
    %logistic3A_92 = arith.divf %logistic3A_90, %logistic3A_91 : vector<2000x256xf32>
    %slice3A_93 = vector.extract_strided_slice %add3A_71 {offsets = [0, 512], sizes = [2000, 256], strides = [1, 1]} : vector<2000x768xf32> to vector<2000x256xf32>
    %slice3A_94 = vector.extract_strided_slice %get3A_74 {offsets = [0, 512], sizes = [1, 256], strides = [1, 1]} : vector<1x768xf32> to vector<1x256xf32>
    %mul3A_95 = vector.broadcast %slice3A_94 : vector<1x256xf32> to vector<2000x256xf32>
    %mul3A_96 = arith.mulf %logistic3A_82, %mul3A_95 : vector<2000x256xf32>
    %add3A_97 = arith.addf %slice3A_93, %mul3A_96 : vector<2000x256xf32>
    %tanh3A = math.tanh %add3A_97 : vector<2000x256xf32>
    %sub3A = arith.constant 1.000000e+00 : f32
    %sub3A_98 = vector.broadcast %sub3A : f32 to vector<2000x256xf32>
    %sub3A_99 = arith.subf %sub3A_98, %logistic3A_92 : vector<2000x256xf32>
    %mul3A_100 = arith.mulf %sub3A_99, %tanh3A : vector<2000x256xf32>
    %swap3A = arith.constant 0 : index
    %swap3A_101 = arith.constant 0 : index
    %swap3A_102 = vector.load %arg8[%swap3A, %swap3A_101] : memref<2000x256xf32, #tpu.memory_space<vmem>>, vector<2000x256xf32>
    tpu.vector_store %arg8[%swap3A, %swap3A_101], %mul3A_100 {strides = array<i32>} : memref<2000x256xf32, #tpu.memory_space<vmem>>, vector<2000x256xf32>,
    return
  }
  func.func @transform_0(%arg0: i32) -> (i32, i32, i32) {
    %c0_i32 = arith.constant 0 : i32
    %c0_i32_0 = arith.constant 0 : i32
    %c0_i32_1 = arith.constant 0 : i32
    return %c0_i32, %arg0, %c0_i32_0 : i32, i32, i32
  }
  func.func @transform_1(%arg0: i32) -> (i32, i32, i32) {
    %c1_i32 = arith.constant 1 : i32
    %c0_i32 = arith.constant 0 : i32
    %c0_i32_0 = arith.constant 0 : i32
    return %c1_i32, %arg0, %c0_i32 : i32, i32, i32
  }
  func.func @transform_2(%arg0: i32) -> (i32, i32) {
    %c0_i32 = arith.constant 0 : i32
    %c0_i32_0 = arith.constant 0 : i32
    %c0_i32_1 = arith.constant 0 : i32
    return %c0_i32, %c0_i32_0 : i32, i32
  }
  func.func @transform_3(%arg0: i32) -> (i32, i32) {
    %c0_i32 = arith.constant 0 : i32
    %c0_i32_0 = arith.constant 0 : i32
    %c0_i32_1 = arith.constant 0 : i32
    return %c0_i32, %c0_i32_0 : i32, i32
  }
  func.func @transform_4(%arg0: i32) -> (i32, i32) {
    %c0_i32 = arith.constant 0 : i32
    %c0_i32_0 = arith.constant 0 : i32
    %c0_i32_1 = arith.constant 0 : i32
    return %c0_i32, %c0_i32_0 : i32, i32
  }
  func.func @transform_5(%arg0: i32) -> (i32, i32) {
    %c0_i32 = arith.constant 0 : i32
    %c0_i32_0 = arith.constant 0 : i32
    %c0_i32_1 = arith.constant 0 : i32
    return %c0_i32, %c0_i32_0 : i32, i32
  }
  func.func @transform_6(%arg0: i32) -> (i32, i32) {
    %c0_i32 = arith.constant 0 : i32
    %c0_i32_0 = arith.constant 0 : i32
    %c0_i32_1 = arith.constant 0 : i32
    return %c0_i32, %c0_i32_0 : i32, i32
  }
  func.func @transform_7(%arg0: i32) -> (i32, i32) {
    %c0_i32 = arith.constant 0 : i32
    %c0_i32_0 = arith.constant 0 : i32
    return %arg0, %c0_i32 : i32, i32
  }
}

</mosaic_0001>

<sc_bundles>
// kernel: kernel.6.cloned.1.call-start
scs
__scs_entry_jumppad:
0x0: {  	(pc) =	sbr.rel $0x88, $3  }
0x1: {  	(tag) =	ssettag $0x0;
	lr =	simm.s32 $0x1  }
0x2: {  	[smem:$0x3F9A] =	sst lr;
	_ =	strace $0xD0000000  }
0x3: {  	_ = 	snop  }
0x4: {  	_ = 	snop  }
0x5: {  	_ = 	snop  }
0x6: {  	_ = 	snop  }
0x7: {  	_ = 	snop  }
__scs_overlays_trampoline_lowered:
0x8: {  	[smem:$0x3FA9] =	sst s0  }
0x9: {  	[smem:$0x3FAA] =	sst s1  }
0xa: {  	[smem:$0x3FAB] =	sst s2  }
0xb: {  	[smem:$0x3FAC] =	sst s3  }
0xc: {  	[smem:$0x3FAD] =	sst s4  }
0xd: {  	[smem:$0x3FAE] =	sst s5  }
0xe: {  	[smem:$0x3FAF] =	sst s6  }
0xf: {  	[smem:$0x3FB0] =	sst s7  }
0x10: {  	[smem:$0x3FB1] =	sst s8  }
0x11: {  	[smem:$0x3FB2] =	sst s9;
	s0 =	simm.s32 @!p0 $0x0  }
0x12: {  	s1 =	sld [smem:$0x3F98];
	s0 =	simm.s32 @p0 $0x1  }
0x13: {  	[smem:$0x3FB3] =	sst s0;
	s0 =	simm.s32 @!p1 $0x0  }
0x14: {  	s2 =	sld [smem:$0x3F97];
	s0 =	simm.s32 @p1 $0x1  }
0x15: {  	[smem:$0x3FB4] =	sst s0;
	s0 =	simm.s32 @!p2 $0x0  }
0x16: {  	s3 =	sld [smem:$0x3FDB];
	s0 =	simm.s32 @p2 $0x1  }
0x17: {  	s4 =	simm.s32 $0x1BF5;
	[smem:$0x3FB6] =	sst s0  }
0x18: {  	s0 =	sld [smem:$0x3F99];
	_ =	swait.ge [sflag:s4], $0x0  }
0x19: {  	s7 =	sld [smem:$0x3F9A]  }
0x1a: {  	s8 =	sadd.s32 $0xFFFFE003, lr  }
0x1b: {  	s9 =	sadd.s32 $0xFFFFFEF7, lr;
	s5 =	simm.s32 $0xFFFFFFFF;
	p2 =	slt.u32 s8, $0xFFFFF086  }
0x1c: {  	p1 =	slt.u32 s9, $0xF7A;
	s5 =	simm.s32 @!p2 $0x0  }
0x1d: {  	s5 =	simm.s32 @p1 $0x1;
	p0 =	seq.s32 s7, s2  }
0x1e: {  	s7 =	smul.u32 @!p0 $0xF7A, s2;
	p2 =	seq.s32 @!p0 s5, $0x0  }
0x1f: {  	s9 =	smul.u32 $0xF7A, s1;
	s8 =	simm.s32 @!p0 $0x1BF5;
	p2 =	por !p2, p0  }
0x20: {  	[sflag:s8] =	ssyncset.s32 @!p0 $0xFFFFF086;
	s6 =	sadd.s32 @!p0 s3, s7;
	s7 =	simm.s32 @!p0 $0x108  }
0x21: {  	s3 =	sadd.s32 s3, s9;
	s6 =	sadd.s32 @!p0 $0x88, s6;
	s7 =	simm.s32 @p2 $0x1082  }
0x22: {  	[simem:s7], [sflag:s8] =	dma.local @!p0 [hbm:s6], $0xF7A  }
0x23: {  	s9 =	sor.u32 $0xD0000000, s2;
	s6 =	simm.s32 $0x108;
	_ =	swait.ge @!p0 [sflag:s8], $0x0  }
0x24: {  	s3 =	sadd.s32 $0x88, s3;
	s6 =	simm.s32 @!p1 $0x1082;
	[sflag:s4] =	ssyncset.s32 $0xFFFFF086  }
0x25: {  	[simem:s6], [sflag:s4] =	dma.local [hbm:s3], $0xF7A  }
0x26: {  	[smem:$0x3F9A] =	sst s1;
	(tag) =	ssettag s2;
	_ =	strace s9  }
0x27: {  	s1 =	sld [smem:$0x3FAA]  }
0x28: {  	s2 =	sld [smem:$0x3FAB]  }
0x29: {  	s4 =	sld [smem:$0x3FAD]  }
0x2a: {  	p0 =	seq.s32 s5, $0x0;
	s5 =	sld [smem:$0x3FAE]  }
0x2b: {  	s6 =	sld [smem:$0x3FAF]  }
0x2c: {  	s7 =	sld [smem:$0x3FB0]  }
0x2d: {  	s3 =	simm.s32 $0x108;
	s8 =	sld [smem:$0x3FB1]  }
0x2e: {  	s3 =	simm.s32 @!p0 $0x1082;
	s9 =	sld [smem:$0x3FB2]  }
0x2f: {  	lr =	sadd.s32 s0, s3;
	s0 =	sld [smem:$0x3FA9]  }
0x30: {  	s3 =	sld [smem:$0x3FAC]  }
0x31: {  	[smem:$0x3FB5] =	sst s10  }
0x32: {  	s10 =	sld [smem:$0x3FB3];
	_ =	sdelay $0x3  }
0x33: {  	p0 =	seq.s32 s10, $0x1;
	s10 =	sld [smem:$0x3FB5];
	_ =	sdelay $0x3  }
0x34: {  	[smem:$0x3FB5] =	sst s10  }
0x35: {  	s10 =	sld [smem:$0x3FB4];
	_ =	sdelay $0x3  }
0x36: {  	p1 =	seq.s32 s10, $0x1;
	s10 =	sld [smem:$0x3FB5];
	_ =	sdelay $0x3  }
0x37: {  	[smem:$0x3FB5] =	sst s10  }
0x38: {  	s10 =	sld [smem:$0x3FB6]  }
0x39: {  	_ = 	snop;
	(pc) =	sbr.ind lr, $3  }
0x3a: {  	_ = 	snop  }
0x3b: {  	_ = 	snop  }
0x3c: {  	p2 =	seq.s32 s10, $0x1;
	s10 =	sld [smem:$0x3FB5]  }
0x3d: {  	_ =	shalt  }
0x3e: {  	_ =	shalt  }
0x3f: {  	_ =	shalt  }
0x40: {  	_ =	shalt  }
0x41: {  	_ =	shalt  }
0x42: {  	_ =	shalt  }
0x43: {  	_ =	shalt  }
0x44: {  	_ =	shalt  }
0x45: {  	_ =	shalt  }
0x46: {  	_ =	shalt  }
0x47: {  	_ =	shalt  }
0x48: {  	_ =	shalt  }
0x49: {  	_ =	shalt  }
0x4a: {  	_ =	shalt  }
0x4b: {  	_ =	shalt  }
0x4c: {  	_ =	shalt  }
0x4d: {  	_ =	shalt  }
0x4e: {  	_ =	shalt  }
0x4f: {  	_ =	shalt  }
0x50: {  	_ =	shalt  }
0x51: {  	_ =	shalt  }
0x52: {  	_ =	shalt  }
0x53: {  	_ =	shalt  }
0x54: {  	_ =	shalt  }
0x55: {  	_ =	shalt  }
0x56: {  	_ =	shalt  }
0x57: {  	_ =	shalt  }
0x58: {  	_ =	shalt  }
0x59: {  	_ =	shalt  }
0x5a: {  	_ =	shalt  }
0x5b: {  	_ =	shalt  }
0x5c: {  	_ =	shalt  }
0x5d: {  	_ =	shalt  }
0x5e: {  	_ =	shalt  }
0x5f: {  	_ =	shalt  }
0x60: {  	_ =	shalt  }
0x61: {  	_ =	shalt  }
0x62: {  	_ =	shalt  }
0x63: {  	_ =	shalt  }
0x64: {  	_ =	shalt  }
0x65: {  	_ =	shalt  }
0x66: {  	_ =	shalt  }
0x67: {  	_ =	shalt  }
0x68: {  	_ =	shalt  }
0x69: {  	_ =	shalt  }
0x6a: {  	_ =	shalt  }
0x6b: {  	_ =	shalt  }
0x6c: {  	_ =	shalt  }
0x6d: {  	_ =	shalt  }
0x6e: {  	_ =	shalt  }
0x6f: {  	_ =	shalt  }
0x70: {  	_ =	shalt  }
0x71: {  	_ =	shalt  }
0x72: {  	_ =	shalt  }
0x73: {  	_ =	shalt  }
0x74: {  	_ =	shalt  }
0x75: {  	_ =	shalt  }
0x76: {  	_ =	shalt  }
0x77: {  	_ =	shalt  }
0x78: {  	_ =	shalt  }
0x79: {  	_ =	shalt  }
0x7a: {  	_ =	shalt  }
0x7b: {  	_ =	shalt  }
0x7c: {  	_ =	shalt  }
0x7d: {  	_ =	shalt  }
0x7e: {  	_ =	shalt  }
0x7f: {  	_ =	shalt  }
0x80: {  	_ =	shalt  }
0x81: {  	_ =	shalt  }
0x82: {  	_ =	shalt  }
0x83: {  	_ =	shalt  }
0x84: {  	_ =	shalt  }
0x85: {  	_ =	shalt  }
0x86: {  	_ =	shalt  }
0x87: {  	_ =	shalt  }
.Lfunc_end0:
.L_simem_size_0:
called_computation_lowered:
.L_overlay_start_0:
0x88: {  	s2 =	sld [smem:$0x3FD9]  }
0x89: {  	s3 =	sld [smem:$0x3FFE];
	_ =	sdelay $0x1  }
0x8a: {  	s1 =	srdreg.scid  }
0x8b: {  	s0 =	sand.u32 $0x1, s1  }
0x8c: {  	s17 =	sshll.u32 s0, $0xA;
	s2 =	sadd.s32 s3, s2  }
0x8d: {  	s2 =	sadd.s32 s2, s17  }
0x8e: {  	[smem:$0x3FC1] =	sst s2  }
0x8f: {  	_ = 	snop  }
0x90: {  	s2 =	sld [smem:$0x3FD0];
	(tm) =	ssettm $0x1  }
0x91: {  	s18 =	sld [smem:$0x3FFB];
	_ =	sdelay $0x3  }
0x92: {  	_ =	strace s18  }
0x93: {  	s3 =	sld [smem:$0x3FFC];
	_ =	sdelay $0x3  }
0x94: {  	_ =	strace s3  }
0x95: {  	s3 =	sld [smem:$0x3FFD];
	_ =	sdelay $0x3  }
0x96: {  	_ =	strace s3  }
0x97: {  	_ =	strace $0x8FFFFFFF  }
0x98: {  	s19 =	sld [smem:$0x3FDB];
	_ =	sdelay $0x1  }
0x99: {  	s4 =	simm.s32 $_scs_section_size  }
0x9a: {  	s5 =	simm.s32 $_size__tile_overlayer_lowered;
	s6 =	simm.s32 $_tile_overlayer_lowered  }
0x9b: {  	s22 =	simm.s32 $0x1BFF;
	s21 =	sshll.u32 s6, $0x1;
	s3 =	sadd.s32 s4, s19  }
0x9c: {  	s7 =	simm.s32 $0x0;
	s20 =	sshll.u32 s5, $0x1;
	s5 =	sadd.s32 s21, s3  }
0x9d: {  	[timem:s7], [sflag:s22] =	dma.local [hbm:s5], s20  }
0x9e: {  	_ =	swait.ge [sflag:s22], s20  }
0x9f: {  	s4 =	ssub.s32 $0x0, s20;
	[sflag:s22] =	ssyncset.done $0x0  }
0xa0: {  	[sflag:s22] =	ssyncadd.s32 s4;
	_ =	sdelay $0x1  }
0xa1: {  	s23 =	simm.s32 $0x1B8B  }
0xa2: {  	_ =	swait.ge [sflag:s23], $0x1  }
0xa3: {  	[sflag:s23] =	ssyncset.done $0x0  }
0xa4: {  	s25 =	simm.s32 $0x1B8E;
	s24 =	sld [smem:$0x3FFE];
	[sflag:s23] =	ssyncadd.s32 $0xFFFFFFFF  }
0xa5: {  	s26 =	simm.s32 $execute0_lowered;
	[smem:$0x3FD2] =	sst s25  }
0xa6: {  	s5 =	sshll.u32 s26, $0x1;
	_ =	strace $0x80000046;
	[dreg:$0x1] =	wrdreg $0xFFFFFFFF  }
0xa7: {  	s28 =	simm.s32 $_size_execute0_lowered;
	s3 =	sadd.s32 s3, s5;
	[dreg:$0x0] =	wrdreg $0x0  }
0xa8: {  	s5 =	sshll.u32 s28, $0x1;
	[dreg:$0x2] =	wrdreg s3  }
0xa9: {  	[dreg:$0x3] =	wrdreg s5  }
0xaa: {  	[dreg:$0x4] =	wrdreg $0xC0  }
0xab: {  	_ =	task [dreg:s7], $0x5FFFF  }
0xac: {  	[dreg:$0x1] =	wrdreg $0xFFFFFFFF  }
0xad: {  	[dreg:$0x0] =	wrdreg $0x60  }
0xae: {  	[dreg:$0x2] =	wrdreg s24  }
0xaf: {  	[dreg:$0x3] =	wrdreg s2  }
0xb0: {  	[dreg:$0x4] =	wrdreg $0x29900  }
0xb1: {  	[dreg:$0x5] =	wrdreg $0x9  }
0xb2: {  	_ =	task.clear_ibuf [dreg:s7], $0x6FFFF;
	_ =	strace $0x90000046  }
0xb3: {  	s29 =	simm.s32 $0x9;
	_ =	strace $0x80000048  }
0xb4: {  	_ =	swait.ge [sflag:s29], $0x1  }
0xb5: {  	[sflag:s29] =	ssyncadd.s32 $0xFFFFFFFF  }
0xb6: {  	_ =	strace $0x90000048  }
0xb7: {  	_ =	sfence  }
0xb8: {  	s30 =	sld [smem:$0x0];
	_ =	sdelay $0x2  }
0xb9: {  	s31 =	sshll.u32 s1, $0xD;
	s1 =	sshrl.u32 s1, $0x2  }
0xba: {  	s3 =	sand.u32 $0x4000, s31;
	s1 =	sadd.s32 s1, s30  }
0xbb: {  	s0 =	sor.u32 s3, s0;
	s1 =	sshll.u32 s1, $0x11  }
0xbc: {  	s0 =	sor.u32 s1, s0  }
0xbd: {  	s0 =	sadd.s32 $0x8F2B, s0  }
0xbe: {  	[sflag:s0] =	ssyncadd.remote.s32 $0x1  }
0xbf: {  	_ =	sfence.sel $0xFFFF  }
0xc0: {  	[dreg:$0x0] =	wrdreg $0xFFFFFFFF;
	(pc) =	sbr.abs _section_cstart, $3  }
0xc1: {  	[dreg:$0x1] =	wrdreg $0xFFFFFFFF  }
0xc2: {  	_ =	task.clear_ibuf [dreg:s7], $0x2FFFF;
	_ =	strace $0x9FFFFFFF  }
0xc3: {  	(tm) =	ssettm $0x7FFFFFFF  }
tec
execute0_lowered:
.L_overlay_start_1:
0x0: {  	(tag) =	ssettag $0x1  }
0x1: {  	s5 =	rddreg [dreg:$0x0]  }
0x2: {  	s8 =	rddreg [dreg:$0x1]  }
0x3: {  	s0 =	srdreg.scid;
	s2 =	rddreg [dreg:$0x2]  }
0x4: {  	s1 =	rddreg [dreg:$0x3];
	s3 =	simm.s32 $0x0;
	s4 =	sand.u32 $0x1, s0  }
0x5: {  	s13 =	simm.s32 $0x50;
	s0 =	stileid.u32;
	s6 =	smul.u32 $0x27100, s4  }
0x6: {  	s14 =	simm.s32 $0x0;
	[smem:$0x7FF] =	sst s3;
	s7 =	smul.u32 $0x2710, s0  }
0x7: {  	s26 =	smul.u32 $0x1400, s0;
	_ =	strace $0x80000047;
	s10 =	ssub.s32 $0x2, s4  }
0x8: {  	s11 =	smul.u32 $0x14000, s4;
	s4 =	sadd.s32 $0xE400, s5;
	s31 =	sshll.u32 s0, $0x6  }
0x9: {  	s29 =	sshrl.u32 s10, $0x1;
	s6 =	sadd.s32 s7, s6;
	s28 =	sshrl.u32 s26, $0x3  }
0xa: {  	s10 =	ssub.s32 s10, s29;
	s30 =	sadd.s32 s26, s11;
	s6 =	sshrl.u32 s6, $0x3  }
0xb: {  	s12 =	sadd.s32 s26, s2;
	s11 =	sshrl.u32 s30, $0x3;
	s9 =	sadd.s32 s6, s5  }
0xc: {  	s5 =	sadd.s32 s28, s5;
	s6 =	sor.u32 $0x1C01, s31;
	s8 =	sadd.s32 s8, s11  }
0xd: {  	s11 =	simm.s32 $0x1;
	s5 =	sadd.s32 $0xBC00, s5;
	s7 =	sadd.s32 $0x1E00, s9  }
0xe: {  	s9 =	smax.u32 s10, $0x1;
	s10 =	sshrl.u32 s12, $0x3;
	s12 =	simm.s32 $0x2710  }
.LBB2_1:
0xf: {  	[spmem:s10], [sflag:s6] =	dma.local [hbm:s5], $0x280  }
0x10: {  	_ =	swait.ge [sflag:s11], $0x280  }
0x11: {  	[sflag:s11] =	ssyncset.done $0x0  }
0x12: {  	[sflag:s11] =	ssyncadd.s32 $0xFFFFFD80  }
0x13: {  	[tilespmem:s12], [sflag:$0x1] =	stream.linear.gather [hbm4b:s4+s3], $0x280, $0x38;
	[tilespmem:$0x3D90] =	vst v63  }
0x14: {  	_ =	swait.ge [sflag:s11], $0x280  }
0x15: {  	[sflag:s11] =	ssyncset.done $0x0  }
0x16: {  	[sflag:s11] =	ssyncadd.s32 $0xFFFFFD80  }
0x17: {  	[tilespmem:s3], [sflag:$0x1] =	stream.linear.gather [hbm4b:s7+s3], $0x2710, $0x38;
	[tilespmem:$0x3D90] =	vst v63  }
0x18: {  	_ =	swait.ge [sflag:s11], $0x2710  }
0x19: {  	[sflag:s11] =	ssyncset.done $0x0  }
0x1a: {  	[sflag:s11] =	ssyncadd.s32 $0xFFFFD8F0  }
0x1b: {  	s15 =	simm.s32 $0x0;
	[bflag:$0x0] =	sbarrier.arrive $0xFFFF  }
0x1c: {  	[spmem:s2] =	stream.indirect.scatter.add.f32 [tilespmem:s12], [sflag:$0x1], $0x8, s15, s13, $0xb8;
	[tilespmem:$0x3D90] =	vst v63  }
0x1d: {  	_ =	swait.ge [sflag:s11], $0x280  }
0x1e: {  	s15 =	simm.s32 $0x140;
	[sflag:s11] =	ssyncset.done $0x0  }
.LBB2_2:
0x1f: {  	s16 =	sshra.s32 s15, $0x2;
	[sflag:s11] =	ssyncadd.s32 $0xFFFFFD80;
	p0 =	sne.s32 s15, $0x9B00  }
0x20: {  	[spmem:s2] =	stream.indirect.scatter.add.f32 [tilespmem:s12], [sflag:$0x1], $0x8, s16, s13, $0xb8;
	[tilespmem:$0x3D90] =	vst v63  }
.Ltmp0:
0x21: {  	_ = 	snop;
	(pc) =	sbr.rel @p0 .LBB2_2-.Ltmp0, $4  }
0x22: {  	_ = 	snop  }
0x23: {  	s15 =	sadd.s32 $0x140, s15  }
0x24: {  	_ =	swait.ge [sflag:s11], $0x280  }
0x25: {  	[sflag:s11] =	ssyncset.done $0x0  }
0x26: {  	s14 =	sadd.s32 $0x1, s14  }
0x27: {  	[sflag:s11] =	ssyncadd.s32 $0xFFFFFD80;
	p0 =	sne.s32 s14, s9  }
.Ltmp1:
0x28: {  	[bflag:$0x0] =	sbarrier.arrive $0xFFFF;
	(pc) =	sbr.rel @p0 .LBB2_1-.Ltmp1, $4  }
0x29: {  	[hbm:s8], [sflag:s6] =	dma.local [spmem:s10], $0x280  }
0x2a: {  	_ =	swait.ge [sflag:s11], $0x280  }
0x2b: {  	[sflag:s11] =	ssyncset.done $0x0  }
0x2c: {  	[sflag:s11] =	ssyncadd.s32 $0xFFFFFD80  }
0x2d: {  	_ =	sfence.sel $0x180000  }
0x2e: {  	[bflag:$0x0] =	sbarrier.arrive $0xFFFF  }
0x2f: {  	p0 =	sne.s32 s0, $0x0;
	_ =	strace $0x90000047  }
0x30: {  	s0 =	sadd.s32 @!p0 $0x100000, s1;
	[bflag:$0x2] =	sbarrier.arrive $0xFFFF  }
0x31: {  	[sflag:s0] =	ssyncadd.tile.s32 @!p0 $0x1;
	_ =	shalt  }
.Lfunc_end2:
_tile_overlayer_lowered:
.L_overlay_start_2:
0x32: {  	(tag) =	ssettag $0x2  }
0x33: {  	s0 =	rddreg [dreg:$0x0];
	s2 =	stileid.u32  }
0x34: {  	s1 =	rddreg [dreg:$0x1];
	p0 =	sne.s32 s2, $0x0  }
0x35: {  	s3 =	rddreg [dreg:$0x2];
	[bflag:$0x3] =	sbarrier.arrive $0xFFFF;
	s2 =	simm.s32 @!p0 $0x1C01  }
0x36: {  	[timem:s3], [sflag:s2] =	dma.local @!p0 [hbm:s0], s1  }
0x37: {  	s0 =	simm.s32 @!p0 $0x1  }
0x38: {  	_ =	swait.ge @!p0 [sflag:s0], s1  }
0x39: {  	s1 =	ssub.s32 @!p0 $0x0, s1;
	[sflag:s0] =	ssyncset.done @!p0 $0x0  }
0x3a: {  	[sflag:s0] =	ssyncadd.s32 @!p0 s1  }
0x3b: {  	[bflag:$0x3] =	sbarrier.arrive $0xFFFF  }
0x3c: {  	_ =	shalt  }

// kernel: kernel.9.cloned.1.call-start
scs
__scs_entry_jumppad:
0x0: {  	(pc) =	sbr.rel $0x88, $3  }
0x1: {  	(tag) =	ssettag $0x0;
	lr =	simm.s32 $0x1  }
0x2: {  	[smem:$0x3F9A] =	sst lr;
	_ =	strace $0xD0000000  }
0x3: {  	_ = 	snop  }
0x4: {  	_ = 	snop  }
0x5: {  	_ = 	snop  }
0x6: {  	_ = 	snop  }
0x7: {  	_ = 	snop  }
__scs_overlays_trampoline_lowered:
0x8: {  	[smem:$0x3FA9] =	sst s0  }
0x9: {  	[smem:$0x3FAA] =	sst s1  }
0xa: {  	[smem:$0x3FAB] =	sst s2  }
0xb: {  	[smem:$0x3FAC] =	sst s3  }
0xc: {  	[smem:$0x3FAD] =	sst s4  }
0xd: {  	[smem:$0x3FAE] =	sst s5  }
0xe: {  	[smem:$0x3FAF] =	sst s6  }
0xf: {  	[smem:$0x3FB0] =	sst s7  }
0x10: {  	[smem:$0x3FB1] =	sst s8  }
0x11: {  	[smem:$0x3FB2] =	sst s9;
	s0 =	simm.s32 @!p0 $0x0  }
0x12: {  	s1 =	sld [smem:$0x3F98];
	s0 =	simm.s32 @p0 $0x1  }
0x13: {  	[smem:$0x3FB3] =	sst s0;
	s0 =	simm.s32 @!p1 $0x0  }
0x14: {  	s2 =	sld [smem:$0x3F97];
	s0 =	simm.s32 @p1 $0x1  }
0x15: {  	[smem:$0x3FB4] =	sst s0;
	s0 =	simm.s32 @!p2 $0x0  }
0x16: {  	s3 =	sld [smem:$0x3FDB];
	s0 =	simm.s32 @p2 $0x1  }
0x17: {  	s4 =	simm.s32 $0x1BF5;
	[smem:$0x3FB6] =	sst s0  }
0x18: {  	s0 =	sld [smem:$0x3F99];
	_ =	swait.ge [sflag:s4], $0x0  }
0x19: {  	s7 =	sld [smem:$0x3F9A]  }
0x1a: {  	s8 =	sadd.s32 $0xFFFFE003, lr  }
0x1b: {  	s9 =	sadd.s32 $0xFFFFFEF7, lr;
	s5 =	simm.s32 $0xFFFFFFFF;
	p2 =	slt.u32 s8, $0xFFFFF086  }
0x1c: {  	p1 =	slt.u32 s9, $0xF7A;
	s5 =	simm.s32 @!p2 $0x0  }
0x1d: {  	s5 =	simm.s32 @p1 $0x1;
	p0 =	seq.s32 s7, s2  }
0x1e: {  	s7 =	smul.u32 @!p0 $0xF7A, s2;
	p2 =	seq.s32 @!p0 s5, $0x0  }
0x1f: {  	s9 =	smul.u32 $0xF7A, s1;
	s8 =	simm.s32 @!p0 $0x1BF5;
	p2 =	por !p2, p0  }
0x20: {  	[sflag:s8] =	ssyncset.s32 @!p0 $0xFFFFF086;
	s6 =	sadd.s32 @!p0 s3, s7;
	s7 =	simm.s32 @!p0 $0x108  }
0x21: {  	s3 =	sadd.s32 s3, s9;
	s6 =	sadd.s32 @!p0 $0x88, s6;
	s7 =	simm.s32 @p2 $0x1082  }
0x22: {  	[simem:s7], [sflag:s8] =	dma.local @!p0 [hbm:s6], $0xF7A  }
0x23: {  	s9 =	sor.u32 $0xD0000000, s2;
	s6 =	simm.s32 $0x108;
	_ =	swait.ge @!p0 [sflag:s8], $0x0  }
0x24: {  	s3 =	sadd.s32 $0x88, s3;
	s6 =	simm.s32 @!p1 $0x1082;
	[sflag:s4] =	ssyncset.s32 $0xFFFFF086  }
0x25: {  	[simem:s6], [sflag:s4] =	dma.local [hbm:s3], $0xF7A  }
0x26: {  	[smem:$0x3F9A] =	sst s1;
	(tag) =	ssettag s2;
	_ =	strace s9  }
0x27: {  	s1 =	sld [smem:$0x3FAA]  }
0x28: {  	s2 =	sld [smem:$0x3FAB]  }
0x29: {  	s4 =	sld [smem:$0x3FAD]  }
0x2a: {  	p0 =	seq.s32 s5, $0x0;
	s5 =	sld [smem:$0x3FAE]  }
0x2b: {  	s6 =	sld [smem:$0x3FAF]  }
0x2c: {  	s7 =	sld [smem:$0x3FB0]  }
0x2d: {  	s3 =	simm.s32 $0x108;
	s8 =	sld [smem:$0x3FB1]  }
0x2e: {  	s3 =	simm.s32 @!p0 $0x1082;
	s9 =	sld [smem:$0x3FB2]  }
0x2f: {  	lr =	sadd.s32 s0, s3;
	s0 =	sld [smem:$0x3FA9]  }
0x30: {  	s3 =	sld [smem:$0x3FAC]  }
0x31: {  	[smem:$0x3FB5] =	sst s10  }
0x32: {  	s10 =	sld [smem:$0x3FB3];
	_ =	sdelay $0x3  }
0x33: {  	p0 =	seq.s32 s10, $0x1;
	s10 =	sld [smem:$0x3FB5];
	_ =	sdelay $0x3  }
0x34: {  	[smem:$0x3FB5] =	sst s10  }
0x35: {  	s10 =	sld [smem:$0x3FB4];
	_ =	sdelay $0x3  }
0x36: {  	p1 =	seq.s32 s10, $0x1;
	s10 =	sld [smem:$0x3FB5];
	_ =	sdelay $0x3  }
0x37: {  	[smem:$0x3FB5] =	sst s10  }
0x38: {  	s10 =	sld [smem:$0x3FB6]  }
0x39: {  	_ = 	snop;
	(pc) =	sbr.ind lr, $3  }
0x3a: {  	_ = 	snop  }
0x3b: {  	_ = 	snop  }
0x3c: {  	p2 =	seq.s32 s10, $0x1;
	s10 =	sld [smem:$0x3FB5]  }
0x3d: {  	_ =	shalt  }
0x3e: {  	_ =	shalt  }
0x3f: {  	_ =	shalt  }
0x40: {  	_ =	shalt  }
0x41: {  	_ =	shalt  }
0x42: {  	_ =	shalt  }
0x43: {  	_ =	shalt  }
0x44: {  	_ =	shalt  }
0x45: {  	_ =	shalt  }
0x46: {  	_ =	shalt  }
0x47: {  	_ =	shalt  }
0x48: {  	_ =	shalt  }
0x49: {  	_ =	shalt  }
0x4a: {  	_ =	shalt  }
0x4b: {  	_ =	shalt  }
0x4c: {  	_ =	shalt  }
0x4d: {  	_ =	shalt  }
0x4e: {  	_ =	shalt  }
0x4f: {  	_ =	shalt  }
0x50: {  	_ =	shalt  }
0x51: {  	_ =	shalt  }
0x52: {  	_ =	shalt  }
0x53: {  	_ =	shalt  }
0x54: {  	_ =	shalt  }
0x55: {  	_ =	shalt  }
0x56: {  	_ =	shalt  }
0x57: {  	_ =	shalt  }
0x58: {  	_ =	shalt  }
0x59: {  	_ =	shalt  }
0x5a: {  	_ =	shalt  }
0x5b: {  	_ =	shalt  }
0x5c: {  	_ =	shalt  }
0x5d: {  	_ =	shalt  }
0x5e: {  	_ =	shalt  }
0x5f: {  	_ =	shalt  }
0x60: {  	_ =	shalt  }
0x61: {  	_ =	shalt  }
0x62: {  	_ =	shalt  }
0x63: {  	_ =	shalt  }
0x64: {  	_ =	shalt  }
0x65: {  	_ =	shalt  }
0x66: {  	_ =	shalt  }
0x67: {  	_ =	shalt  }
0x68: {  	_ =	shalt  }
0x69: {  	_ =	shalt  }
0x6a: {  	_ =	shalt  }
0x6b: {  	_ =	shalt  }
0x6c: {  	_ =	shalt  }
0x6d: {  	_ =	shalt  }
0x6e: {  	_ =	shalt  }
0x6f: {  	_ =	shalt  }
0x70: {  	_ =	shalt  }
0x71: {  	_ =	shalt  }
0x72: {  	_ =	shalt  }
0x73: {  	_ =	shalt  }
0x74: {  	_ =	shalt  }
0x75: {  	_ =	shalt  }
0x76: {  	_ =	shalt  }
0x77: {  	_ =	shalt  }
0x78: {  	_ =	shalt  }
0x79: {  	_ =	shalt  }
0x7a: {  	_ =	shalt  }
0x7b: {  	_ =	shalt  }
0x7c: {  	_ =	shalt  }
0x7d: {  	_ =	shalt  }
0x7e: {  	_ =	shalt  }
0x7f: {  	_ =	shalt  }
0x80: {  	_ =	shalt  }
0x81: {  	_ =	shalt  }
0x82: {  	_ =	shalt  }
0x83: {  	_ =	shalt  }
0x84: {  	_ =	shalt  }
0x85: {  	_ =	shalt  }
0x86: {  	_ =	shalt  }
0x87: {  	_ =	shalt  }
.Lfunc_end0:
.L_simem_size_0:
called_computation.1_lowered:
.L_overlay_start_0:
0x88: {  	s2 =	sld [smem:$0x3FD9]  }
0x89: {  	s3 =	sld [smem:$0x3FFE];
	_ =	sdelay $0x1  }
0x8a: {  	s1 =	srdreg.scid  }
0x8b: {  	s0 =	sand.u32 $0x1, s1  }
0x8c: {  	s17 =	sshll.u32 s0, $0xA;
	s2 =	sadd.s32 s3, s2  }
0x8d: {  	s2 =	sadd.s32 s2, s17  }
0x8e: {  	[smem:$0x3FC1] =	sst s2  }
0x8f: {  	_ = 	snop  }
0x90: {  	s2 =	sld [smem:$0x3FD0];
	(tm) =	ssettm $0x1  }
0x91: {  	s18 =	sld [smem:$0x3FFB];
	_ =	sdelay $0x3  }
0x92: {  	_ =	strace s18  }
0x93: {  	s3 =	sld [smem:$0x3FFC];
	_ =	sdelay $0x3  }
0x94: {  	_ =	strace s3  }
0x95: {  	s3 =	sld [smem:$0x3FFD];
	_ =	sdelay $0x3  }
0x96: {  	_ =	strace s3  }
0x97: {  	_ =	strace $0x8FFFFFFF  }
0x98: {  	s19 =	sld [smem:$0x3FDB];
	_ =	sdelay $0x1  }
0x99: {  	s4 =	simm.s32 $_scs_section_size  }
0x9a: {  	s5 =	simm.s32 $_size__tile_overlayer_lowered;
	s6 =	simm.s32 $_tile_overlayer_lowered  }
0x9b: {  	s22 =	simm.s32 $0x1BFF;
	s21 =	sshll.u32 s6, $0x1;
	s3 =	sadd.s32 s4, s19  }
0x9c: {  	s7 =	simm.s32 $0x0;
	s20 =	sshll.u32 s5, $0x1;
	s5 =	sadd.s32 s21, s3  }
0x9d: {  	[timem:s7], [sflag:s22] =	dma.local [hbm:s5], s20  }
0x9e: {  	_ =	swait.ge [sflag:s22], s20  }
0x9f: {  	s4 =	ssub.s32 $0x0, s20;
	[sflag:s22] =	ssyncset.done $0x0  }
0xa0: {  	[sflag:s22] =	ssyncadd.s32 s4;
	_ =	sdelay $0x1  }
0xa1: {  	s23 =	simm.s32 $0x1B8B  }
0xa2: {  	_ =	swait.ge [sflag:s23], $0x1  }
0xa3: {  	[sflag:s23] =	ssyncset.done $0x0  }
0xa4: {  	s25 =	simm.s32 $0x1B8E;
	s24 =	sld [smem:$0x3FFE];
	[sflag:s23] =	ssyncadd.s32 $0xFFFFFFFF  }
0xa5: {  	s26 =	simm.s32 $execute0_lowered;
	[smem:$0x3FD2] =	sst s25  }
0xa6: {  	s5 =	sshll.u32 s26, $0x1;
	_ =	strace $0x80000049;
	[dreg:$0x1] =	wrdreg $0xFFFFFFFF  }
0xa7: {  	s28 =	simm.s32 $_size_execute0_lowered;
	s3 =	sadd.s32 s3, s5;
	[dreg:$0x0] =	wrdreg $0x0  }
0xa8: {  	s5 =	sshll.u32 s28, $0x1;
	[dreg:$0x2] =	wrdreg s3  }
0xa9: {  	[dreg:$0x3] =	wrdreg s5  }
0xaa: {  	[dreg:$0x4] =	wrdreg $0xC0  }
0xab: {  	_ =	task [dreg:s7], $0x5FFFF  }
0xac: {  	[dreg:$0x1] =	wrdreg $0xFFFFFFFF  }
0xad: {  	[dreg:$0x0] =	wrdreg $0x60  }
0xae: {  	[dreg:$0x2] =	wrdreg s2  }
0xaf: {  	[dreg:$0x3] =	wrdreg s24  }
0xb0: {  	[dreg:$0x4] =	wrdreg $0x76200  }
0xb1: {  	[dreg:$0x5] =	wrdreg $0x9  }
0xb2: {  	_ =	task.clear_ibuf [dreg:s7], $0x6FFFF;
	_ =	strace $0x90000049  }
0xb3: {  	s29 =	simm.s32 $0x9;
	_ =	strace $0x8000004B  }
0xb4: {  	_ =	swait.ge [sflag:s29], $0x1  }
0xb5: {  	[sflag:s29] =	ssyncadd.s32 $0xFFFFFFFF  }
0xb6: {  	_ =	strace $0x9000004B  }
0xb7: {  	_ =	sfence  }
0xb8: {  	s30 =	sld [smem:$0x0];
	_ =	sdelay $0x2  }
0xb9: {  	s31 =	sshll.u32 s1, $0xD;
	s1 =	sshrl.u32 s1, $0x2  }
0xba: {  	s3 =	sand.u32 $0x4000, s31;
	s1 =	sadd.s32 s1, s30  }
0xbb: {  	s0 =	sor.u32 s3, s0;
	s1 =	sshll.u32 s1, $0x11  }
0xbc: {  	s0 =	sor.u32 s1, s0  }
0xbd: {  	s0 =	sadd.s32 $0x8F2B, s0  }
0xbe: {  	[sflag:s0] =	ssyncadd.remote.s32 $0x1  }
0xbf: {  	_ =	sfence.sel $0xFFFF  }
0xc0: {  	[dreg:$0x0] =	wrdreg $0xFFFFFFFF;
	(pc) =	sbr.abs _section_cstart, $3  }
0xc1: {  	[dreg:$0x1] =	wrdreg $0xFFFFFFFF  }
0xc2: {  	_ =	task.clear_ibuf [dreg:s7], $0x2FFFF;
	_ =	strace $0x9FFFFFFF  }
0xc3: {  	(tm) =	ssettm $0x7FFFFFFF  }
tec
execute0_lowered:
.L_overlay_start_1:
0x0: {  	(tag) =	ssettag $0x1  }
0x1: {  	s9 =	rddreg [dreg:$0x0]  }
0x2: {  	s4 =	rddreg [dreg:$0x1]  }
0x3: {  	s2 =	rddreg [dreg:$0x2]  }
0x4: {  	s0 =	rddreg [dreg:$0x3];
	s1 =	stileid.u32;
	s3 =	simm.s32 $0x0  }
0x5: {  	s6 =	srdreg.scid;
	s17 =	simm.s32 $0x4;
	s18 =	simm.s32 $0x3  }
0x6: {  	s19 =	simm.s32 $0x0;
	s5 =	smul.u32 $0x2710, s1;
	[smem:$0x7FF] =	sst s3  }
0x7: {  	s7 =	smul.u32 $0xA000, s1;
	s8 =	sand.u32 $0x1, s6;
	s12 =	sadd.s32 $0x1FC00, s4  }
0x8: {  	s31 =	sshll.u32 s1, $0x6;
	_ =	strace $0x8000004A;
	s13 =	smul.u32 $0x140000, s8  }
0x9: {  	s6 =	ssub.s32 $0x2, s8;
	s14 =	sshllo.u32 s8, $0x1;
	s8 =	smul.u32 $0x27100, s8  }
0xa: {  	s5 =	sshrl.u32 s5, $0x3;
	s10 =	sshrl.u32 s7, $0x3;
	s16 =	smul.u32 $0xA0000, s14  }
0xb: {  	s11 =	sshrl.u32 s6, $0x1;
	s15 =	sadd.s32 s7, s2;
	s28 =	smul.u32 $0x13880, s14  }
0xc: {  	s5 =	sadd.s32 s5, s4;
	s10 =	sadd.s32 s10, s4;
	s11 =	ssub.s32 s6, s11  }
0xd: {  	s26 =	sadd.s32 s7, s13;
	s13 =	sor.u32 $0x1C05, s31;
	s14 =	sshrl.u32 s15, $0x3  }
.Ltmp0:
0xe: {  	s15 =	simm.s32 $0x4E20;
	s4 =	sadd.s32 $0x1E00, s5;
	(pc) =	sbr.rel .LBB2_1-.Ltmp0, $4  }
0xf: {  	s5 =	sadd.s32 $0x6C20, s5;
	s6 =	sadd.s32 $0xBC00, s10;
	s10 =	sshrl.u32 s26, $0x3  }
0x10: {  	s29 =	sadd.s32 s7, s16;
	s7 =	sadd.s32 s9, s8;
	s9 =	sadd.s32 s9, s28  }
0x11: {  	s11 =	smax.u32 s11, $0x1;
	s16 =	simm.s32 $0x50;
	s30 =	sshrl.u32 s29, $0x3  }
0x12: {  	s8 =	sadd.s32 s12, s10;
	s10 =	sadd.s32 s12, s30;
	s12 =	simm.s32 $0x5  }
.LBB2_13:
0x13: {  	_ =	swait.ge [sflag:s17], $0x1400  }
0x14: {  	[sflag:s17] =	ssyncset.done $0x0  }
0x15: {  	[sflag:s17] =	ssyncadd.s32 $0xFFFFEC00  }
0x16: {  	_ =	swait.ge [sflag:s18], $0x1400  }
0x17: {  	s19 =	sadd.s32 $0x1, s19;
	[sflag:s18] =	ssyncset.done $0x0  }
0x18: {  	p0 =	sne.s32 s19, s11;
	[sflag:s18] =	ssyncadd.s32 $0xFFFFEC00  }
.Ltmp1:
0x19: {  	[bflag:$0x0] =	sbarrier.arrive $0xFFFF;
	(pc) =	sbr.rel @!p0 .LBB2_14-.Ltmp1, $4  }
0x1a: {  	[hbm:s10], [sflag:s13] =	dma.local [spmem:s14], $0x1400  }
0x1b: {  	_ =	swait.ge [sflag:s12], $0x1400  }
0x1c: {  	[sflag:s12] =	ssyncset.done $0x0  }
0x1d: {  	[sflag:s12] =	ssyncadd.s32 $0xFFFFEC00  }
.LBB2_1:
0x1e: {  	[tilespmem:s3], [sflag:$0x5] =	stream.linear.gather [hbm4b:s4+s3], $0x2710, $0x38;
	[tilespmem:$0x11620] =	vst v63  }
0x1f: {  	_ =	swait.ge [sflag:s12], $0x2710  }
0x20: {  	[sflag:s12] =	ssyncset.done $0x0  }
0x21: {  	s20 =	simm.s32 $0x2710;
	[sflag:s12] =	ssyncadd.s32 $0xFFFFD8F0  }
0x22: {  	[tilespmem:s20], [sflag:$0x5] =	stream.linear.gather [hbm4b:s5+s3], $0x2710, $0x38;
	[tilespmem:$0x11620] =	vst v63  }
0x23: {  	_ =	swait.ge [sflag:s12], $0x2710  }
0x24: {  	[sflag:s12] =	ssyncset.done $0x0  }
0x25: {  	[sflag:s12] =	ssyncadd.s32 $0xFFFFD8F0  }
0x26: {  	[spmem:s14], [sflag:s13] =	dma.local [hbm:s6], $0x1400  }
.Ltmp2:
0x27: {  	_ =	swait.ge [sflag:s12], $0x1400;
	(pc) =	sbr.rel .LBB2_2-.Ltmp2, $4  }
0x28: {  	[sflag:s12] =	ssyncset.done $0x0  }
0x29: {  	[sflag:s12] =	ssyncadd.s32 $0xFFFFEC00  }
0x2a: {  	s21 =	simm.s32 $0x1;
	s22 =	simm.s32 $0x50;
	[bflag:$0x0] =	sbarrier.arrive $0xFFFF  }
0x2b: {  	[tilespmem:s15], [sflag:$0x1] =	stream.indirect.gather [hbm4b:s7+s16], $0x40, s3, s16, $0xb8;
	[tilespmem:$0x11620] =	vst v63  }
.LBB2_5:
0x2c: {  	s25 =	smul.u32 $0x5000, s24;
	_ =	sdelay $0x1  }
0x2d: {  	s25 =	sshrl.u32 s25, $0x2  }
0x2e: {  	s31 =	sadd.s32 $0x1, s24;
	s25 =	sadd.s32 $0x4E20, s25  }
0x2f: {  	[tilespmem:s25], [sflag:s31] =	stream.indirect.gather [hbm4b:s7+s16], $0x40, s22, s16, $0xb8;
	[tilespmem:$0x11620] =	vst v63  }
.LBB2_6:
0x30: {  	s23 =	sand.u32 $0x1, s23;
	s21 =	sadd.s32 $0x1, s21  }
0x31: {  	s24 =	smul.u32 $0x5000, s23;
	s25 =	sadd.s32 $0x1, s23;
	p0 =	sne.s32 s21, $0x7E  }
.Ltmp3:
0x32: {  	_ =	swait.ge [sflag:s25], $0x1400;
	(pc) =	sbr.rel @!p0 .LBB2_7-.Ltmp3, $4  }
0x33: {  	s24 =	sshrl.u32 s24, $0x2;
	[sflag:s25] =	ssyncset.done $0x0  }
0x34: {  	s23 =	sadd.s32 $0x3, s23;
	s24 =	sadd.s32 $0x4E20, s24;
	[sflag:s25] =	ssyncadd.s32 $0xFFFFEC00  }
0x35: {  	[spmem:s2] =	stream.indirect.scatter.add.f32 [tilespmem:s24], [sflag:s23], $0x40, s20, s16, $0xb8;
	[tilespmem:$0x11620] =	vst v63  }
0x36: {  	s22 =	sadd.s32 $0x50, s22;
	s20 =	sadd.s32 $0x50, s20  }
.LBB2_2:
0x37: {  	s23 =	sadd.s32 $0xFFFFFFFF, s21  }
0x38: {  	p0 =	seq.s32 s23, $0x0  }
.Ltmp4:
0x39: {  	_ = 	snop;
	(pc) =	sbr.rel @p0 .LBB2_5-.Ltmp4, $2  }
0x3a: {  	_ =	sdelay $0x2  }
0x3b: {  	s24 =	sand.u32 $0x1, s21  }
0x3c: {  	p0 =	seq.s32 s23, $0x7C  }
.Ltmp5:
0x3d: {  	_ = 	snop;
	(pc) =	sbr.rel @p0 .LBB2_6-.Ltmp5, $1  }
0x3e: {  	_ =	sdelay $0x3  }
.Ltmp6:
0x3f: {  	(pc) =	sbr.rel .LBB2_5-.Ltmp6, $4  }
0x40: {  	s25 =	sadd.s32 $0x3, s24  }
0x41: {  	_ =	swait.ge [sflag:s25], $0x1400  }
0x42: {  	[sflag:s25] =	ssyncset.done $0x0  }
0x43: {  	[sflag:s25] =	ssyncadd.s32 $0xFFFFEC00  }
.LBB2_7:
0x44: {  	_ =	swait.ge [sflag:s17], $0x1400  }
0x45: {  	[sflag:s17] =	ssyncset.done $0x0  }
0x46: {  	[sflag:s17] =	ssyncadd.s32 $0xFFFFEC00  }
0x47: {  	_ =	swait.ge [sflag:s18], $0x1400  }
0x48: {  	[sflag:s18] =	ssyncset.done $0x0  }
0x49: {  	[sflag:s18] =	ssyncadd.s32 $0xFFFFEC00  }
0x4a: {  	[bflag:$0x0] =	sbarrier.arrive $0xFFFF  }
0x4b: {  	[hbm:s8], [sflag:s13] =	dma.local [spmem:s14], $0x1400  }
0x4c: {  	_ =	swait.ge [sflag:s12], $0x1400  }
0x4d: {  	[sflag:s12] =	ssyncset.done $0x0  }
0x4e: {  	[sflag:s12] =	ssyncadd.s32 $0xFFFFEC00  }
0x4f: {  	[spmem:s14], [sflag:s13] =	dma.local [hbm:s6], $0x1400  }
.Ltmp7:
0x50: {  	_ =	swait.ge [sflag:s12], $0x1400;
	(pc) =	sbr.rel .LBB2_8-.Ltmp7, $4  }
0x51: {  	[sflag:s12] =	ssyncset.done $0x0  }
0x52: {  	s20 =	simm.s32 $0x50;
	[sflag:s12] =	ssyncadd.s32 $0xFFFFEC00  }
0x53: {  	s21 =	simm.s32 $0x2710;
	s22 =	simm.s32 $0x1;
	[bflag:$0x0] =	sbarrier.arrive $0xFFFF  }
0x54: {  	[tilespmem:s15], [sflag:$0x1] =	stream.indirect.gather [hbm4b:s9+s20], $0x40, s3, s20, $0xb8;
	[tilespmem:$0x11620] =	vst v63  }
.LBB2_11:
0x55: {  	s25 =	smul.u32 $0x5000, s24;
	_ =	sdelay $0x1  }
0x56: {  	s25 =	sshrl.u32 s25, $0x2  }
0x57: {  	s31 =	sadd.s32 $0x1, s24;
	s25 =	sadd.s32 $0x4E20, s25  }
0x58: {  	[tilespmem:s25], [sflag:s31] =	stream.indirect.gather [hbm4b:s9+s16], $0x40, s20, s16, $0xb8;
	[tilespmem:$0x11620] =	vst v63  }
.LBB2_12:
0x59: {  	s23 =	sand.u32 $0x1, s23;
	s22 =	sadd.s32 $0x1, s22  }
0x5a: {  	s24 =	smul.u32 $0x5000, s23;
	s25 =	sadd.s32 $0x1, s23;
	p0 =	sne.s32 s22, $0x7E  }
.Ltmp8:
0x5b: {  	_ =	swait.ge [sflag:s25], $0x1400;
	(pc) =	sbr.rel @!p0 .LBB2_13-.Ltmp8, $4  }
0x5c: {  	s24 =	sshrl.u32 s24, $0x2;
	[sflag:s25] =	ssyncset.done $0x0  }
0x5d: {  	s23 =	sadd.s32 $0x3, s23;
	s24 =	sadd.s32 $0x4E20, s24;
	[sflag:s25] =	ssyncadd.s32 $0xFFFFEC00  }
0x5e: {  	[spmem:s2] =	stream.indirect.scatter.add.f32 [tilespmem:s24], [sflag:s23], $0x40, s21, s16, $0xb8;
	[tilespmem:$0x11620] =	vst v63  }
0x5f: {  	s20 =	sadd.s32 $0x50, s20;
	s21 =	sadd.s32 $0x50, s21  }
.LBB2_8:
0x60: {  	s23 =	sadd.s32 $0xFFFFFFFF, s22  }
0x61: {  	p0 =	seq.s32 s23, $0x0  }
.Ltmp9:
0x62: {  	_ = 	snop;
	(pc) =	sbr.rel @p0 .LBB2_11-.Ltmp9, $2  }
0x63: {  	_ =	sdelay $0x2  }
0x64: {  	s24 =	sand.u32 $0x1, s22  }
0x65: {  	p0 =	seq.s32 s23, $0x7C  }
.Ltmp10:
0x66: {  	_ = 	snop;
	(pc) =	sbr.rel @p0 .LBB2_12-.Ltmp10, $1  }
0x67: {  	_ =	sdelay $0x3  }
.Ltmp11:
0x68: {  	(pc) =	sbr.rel .LBB2_11-.Ltmp11, $4  }
0x69: {  	s25 =	sadd.s32 $0x3, s24  }
0x6a: {  	_ =	swait.ge [sflag:s25], $0x1400  }
0x6b: {  	[sflag:s25] =	ssyncset.done $0x0  }
0x6c: {  	[sflag:s25] =	ssyncadd.s32 $0xFFFFEC00  }
.LBB2_14:
0x6d: {  	_ =	sfence.sel $0x180000  }
0x6e: {  	[bflag:$0x0] =	sbarrier.arrive $0xFFFF  }
0x6f: {  	p0 =	sne.s32 s1, $0x0;
	_ =	strace $0x9000004A  }
0x70: {  	s0 =	sadd.s32 @!p0 $0x100000, s0;
	[bflag:$0x2] =	sbarrier.arrive $0xFFFF  }
0x71: {  	[sflag:s0] =	ssyncadd.tile.s32 @!p0 $0x1;
	_ =	shalt  }
.Lfunc_end2:
_tile_overlayer_lowered:
.L_overlay_start_2:
0x72: {  	(tag) =	ssettag $0x2  }
0x73: {  	s0 =	rddreg [dreg:$0x0];
	s2 =	stileid.u32  }
0x74: {  	s1 =	rddreg [dreg:$0x1];
	p0 =	sne.s32 s2, $0x0  }
0x75: {  	s3 =	rddreg [dreg:$0x2];
	[bflag:$0x3] =	sbarrier.arrive $0xFFFF;
	s2 =	simm.s32 @!p0 $0x1C05  }
0x76: {  	[timem:s3], [sflag:s2] =	dma.local @!p0 [hbm:s0], s1  }
0x77: {  	s0 =	simm.s32 @!p0 $0x5  }
0x78: {  	_ =	swait.ge @!p0 [sflag:s0], s1  }
0x79: {  	s1 =	ssub.s32 @!p0 $0x0, s1;
	[sflag:s0] =	ssyncset.done @!p0 $0x0  }
0x7a: {  	[sflag:s0] =	ssyncadd.s32 @!p0 s1  }
0x7b: {  	[bflag:$0x3] =	sbarrier.arrive $0xFFFF  }
0x7c: {  	_ =	shalt  }

</sc_bundles>
